<compile_context>
chip_gen: v7x
topology: tpu7x:2x2x1
jax: 0.10.2.dev20260603
libtpu: 0.0.44.dev20260713+nightly
codegen_flags: <defaults>
</compile_context>

<pallas_src>
import functools

import jax
import jax.numpy as jnp
from jax import lax
from jax.experimental import pallas as pl
from jax.experimental.pallas import tpu as pltpu
from jax.experimental.pallas import tpu_sc as plsc

N = 10000
NPAD = 10240
E = 320000
D = 128
NC = 2
NS = 16
NW = NC * NS
EPW = E // NW
CHUNK = 80
NSTEP = EPW // CHUNK
ROWS_PT = NPAD // NS


def _sc_aggregate(feat, edges):
    mesh = plsc.VectorSubcoreMesh(core_axis_name="c", subcore_axis_name="s")

    @functools.partial(
        pl.kernel,
        mesh=mesh,
        out_type=[
            jax.ShapeDtypeStruct((NC, NPAD, D), jnp.float32),
            jax.ShapeDtypeStruct((NC * NPAD,), jnp.float32),
        ],
        scratch_types=[
            pltpu.VMEM((4, CHUNK), jnp.int32),
            pltpu.VMEM((4, CHUNK), jnp.int32),
            pltpu.VMEM((CHUNK, D), jnp.float32),
            pltpu.VMEM((CHUNK, D), jnp.float32),
            pltpu.VMEM((CHUNK, D), jnp.float32),
            pltpu.VMEM((CHUNK, D), jnp.float32),
            pltpu.VMEM((CHUNK,), jnp.float32),
            pltpu.VMEM((ROWS_PT,), jnp.float32),
            pltpu.VMEM_SHARED((NPAD, D), jnp.float32),
            pltpu.VMEM_SHARED((NPAD,), jnp.float32),
        ] + [pltpu.SemaphoreType.DMA] * 12,
    )
    def k(feat_hbm, edges_hbm, sum_out, deg_out,
          srcv, dstv, rowsA, rowsB, rowsC, rowsD, ones_v, zbd_v,
          acc_sh, deg_sh, *sems):
        c = lax.axis_index("c")
        s = lax.axis_index("s")
        wid = c * NS + s
        rows_s = (rowsA, rowsB, rowsC, rowsD)
        isem = sems[0:4]
        gsem = sems[4:8]
        ssem = sems[8:12]

        def zb_body(i, carry):
            r = i // (D // 16)
            col = (i % (D // 16)) * 16
            rowsA[r, pl.ds(col, 16)] = jnp.zeros((16,), jnp.float32)
            return carry
        lax.fori_loop(0, CHUNK * (D // 16), zb_body, 0)

        def zbd_body(i, carry):
            zbd_v[pl.ds(i * 16, 16)] = jnp.zeros((16,), jnp.float32)
            return carry
        lax.fori_loop(0, ROWS_PT // 16, zbd_body, 0)

        def ones_body(i, carry):
            ones_v[pl.ds(i * 16, 16)] = jnp.ones((16,), jnp.float32)
            return carry
        lax.fori_loop(0, CHUNK // 16, ones_body, 0)

        row0_ = pl.multiple_of(s * ROWS_PT, 8)

        def z_body(j, carry):
            r = pl.multiple_of(row0_ + j * CHUNK, 8)
            pltpu.sync_copy(rowsA, acc_sh.at[pl.ds(r, CHUNK), :])
            return carry
        lax.fori_loop(0, ROWS_PT // CHUNK, z_body, 0)
        pltpu.sync_copy(zbd_v, deg_sh.at[pl.ds(row0_, ROWS_PT)])
        plsc.subcore_barrier()

        ebase = wid * EPW

        def start_idx(t, j):
            b = ebase + t * CHUNK
            pltpu.async_copy(edges_hbm.at[pl.ds(b, CHUNK)], srcv.at[j], isem[j])
            pltpu.async_copy(edges_hbm.at[pl.ds(E + b, CHUNK)], dstv.at[j],
                             isem[j])

        def wait_idx(t, j):
            b = ebase + t * CHUNK
            pltpu.make_async_copy(edges_hbm.at[pl.ds(b, CHUNK)], srcv.at[j],
                                  isem[j]).wait()
            pltpu.make_async_copy(edges_hbm.at[pl.ds(E + b, CHUNK)],
                                  dstv.at[j], isem[j]).wait()

        def start_g(j):
            pltpu.async_copy(feat_hbm.at[srcv.at[j]], rows_s[j], gsem[j])

        def wait_g(j):
            pltpu.make_async_copy(feat_hbm.at[srcv.at[j]], rows_s[j],
                                  gsem[j]).wait()

        def start_scat(j):
            pltpu.async_copy(rows_s[j], acc_sh.at[dstv.at[j]], ssem[j],
                             add=True)
            pltpu.async_copy(ones_v, deg_sh.at[dstv.at[j]], ssem[j], add=True)

        def wait_scat(j):
            pltpu.make_async_copy(rows_s[j], acc_sh.at[dstv.at[j]],
                                  ssem[j]).wait()
            pltpu.make_async_copy(ones_v, deg_sh.at[dstv.at[j]],
                                  ssem[j]).wait()

        start_idx(0, 0)
        start_idx(1, 1)
        wait_idx(0, 0)
        start_g(0)

        def e_body(i, carry):
            for j in range(4):
                t = i * 4 + j

                @pl.when(t + 2 < NSTEP)
                def _():
                    @pl.when(t >= 2)
                    def _():
                        wait_scat((j + 2) % 4)
                    start_idx(t + 2, (j + 2) % 4)

                @pl.when(t + 1 < NSTEP)
                def _():
                    wait_idx(t + 1, (j + 1) % 4)
                    start_g((j + 1) % 4)
                wait_g(j)
                start_scat(j)
            return carry
        lax.fori_loop(0, NSTEP // 4, e_body, 0)
        wait_g(0)
        start_scat(0)
        wait_scat(1)
        wait_scat(2)
        wait_scat(3)
        wait_scat(0)
        plsc.subcore_barrier()

        def o_body(j, carry):
            r = pl.multiple_of(row0_ + j * 128, 8)
            pltpu.sync_copy(acc_sh.at[pl.ds(r, 128), :],
                            sum_out.at[c, pl.ds(r, 128), :])
            return carry
        lax.fori_loop(0, ROWS_PT // 128, o_body, 0)
        pltpu.sync_copy(deg_sh.at[pl.ds(row0_, ROWS_PT)],
                        deg_out.at[pl.ds(c * NPAD + row0_, ROWS_PT)])

    return k(feat, edges)


BLK = 256
_HP = lax.Precision.HIGHEST


def _tc_self(feat, W_self, bias):
    def body(f_ref, ws_ref, b_ref, o_ref):
        o_ref[...] = jnp.dot(
            f_ref[...], ws_ref[...], preferred_element_type=jnp.float32,
            precision=_HP) + b_ref[...]

    return pl.pallas_call(
        body,
        grid=((N + BLK - 1) // BLK,),
        in_specs=[
            pl.BlockSpec((BLK, D), lambda i: (i, 0)),
            pl.BlockSpec((D, D), lambda i: (0, 0)),
            pl.BlockSpec((1, D), lambda i: (0, 0)),
        ],
        out_specs=pl.BlockSpec((BLK, D), lambda i: (i, 0)),
        out_shape=jax.ShapeDtypeStruct((N, D), jnp.float32),
    )(feat, W_self, bias)


def _tc_combine(selfp, sum2, deg4, W_neigh):
    def body(p_ref, s_ref, d_ref, wn_ref, o_ref):
        ssum = s_ref[0] + s_ref[1]
        degv = d_ref[0, 0, 0:1, :] + d_ref[1, 0, 0:1, :]
        inv = 1.0 / jnp.maximum(degv, 1.0)
        rr = lax.broadcasted_iota(jnp.int32, (BLK, BLK), 0)
        cc = lax.broadcasted_iota(jnp.int32, (BLK, BLK), 1)
        diag = jnp.where(rr == cc, jnp.broadcast_to(inv, (BLK, BLK)), 0.0)
        h = jnp.dot(diag, ssum, preferred_element_type=jnp.float32,
                    precision=_HP)
        o_ref[...] = p_ref[...] + jnp.dot(
            h, wn_ref[...], preferred_element_type=jnp.float32, precision=_HP)

    return pl.pallas_call(
        body,
        grid=((N + BLK - 1) // BLK,),
        in_specs=[
            pl.BlockSpec((BLK, D), lambda i: (i, 0)),
            pl.BlockSpec((NC, BLK, D), lambda i: (0, i, 0)),
            pl.BlockSpec((NC, 1, 1, BLK), lambda i: (0, i, 0, 0)),
            pl.BlockSpec((D, D), lambda i: (0, 0)),
        ],
        out_specs=pl.BlockSpec((BLK, D), lambda i: (i, 0)),
        out_shape=jax.ShapeDtypeStruct((N, D), jnp.float32),
    )(selfp, sum2, deg4, W_neigh)


def kernel(feat, edge_index, W_self, b_self, W_neigh, b_neigh):
    sum2, deg_flat = _sc_aggregate(feat, edge_index.reshape(-1))
    deg4 = deg_flat.reshape(NC, NPAD // BLK, 1, BLK)
    bias = (b_self + b_neigh).reshape(1, D)
    selfp = _tc_self(feat, W_self, bias)
    return _tc_combine(selfp, sum2, deg4, W_neigh)

# --- scband reference (transcript-rebuilt; emitter-appended) ---
"""Pipeline reference for scband-sageconv-25950192402572 (READ-ONLY COPY).

The authoritative reference and input builder live on the scoring server;
editing this copy changes nothing except your own understanding.
"""

import jax, jax.numpy as jnp
import numpy as np

N = 10000
E = 320000
D_IN = 128
D_OUT = 128

def setup_inputs(seed: int = 0) -> dict:
    key = jax.random.key(seed)
    k1, k2, k3, k4, k5, k6 = jax.random.split(key, 6)
    feat = jax.random.normal(k1, (N, D_IN), dtype=jnp.float32)
    edge_index = jax.random.randint(k2, (2, E), 0, N, dtype=jnp.int32)
    # Glorot-uniform-ish dense weights (fc_self and fc_neigh), matching keras Dense
    lim = float(np.sqrt(6.0 / (D_IN + D_OUT)))
    W_self = jax.random.uniform(k3, (D_IN, D_OUT), minval=-lim, maxval=lim, dtype=jnp.float32)
    b_self = jnp.zeros((D_OUT,), dtype=jnp.float32)
    W_neigh = jax.random.uniform(k4, (D_IN, D_OUT), minval=-lim, maxval=lim, dtype=jnp.float32)
    b_neigh = jnp.zeros((D_OUT,), dtype=jnp.float32)
    return {"feat": feat, "edge_index": edge_index, "W_self": W_self, "b_self": b_self, "W_neigh": W_neigh, "b_neigh": b_neigh}

def reference(feat, edge_index, W_self, b_self, W_neigh, b_neigh):
    # SAGEConv with 'mean' aggregator, feat_drop=0 (identity at inference),
    # no activation, no norm.
    src = edge_index[0]
    dst = edge_index[1]
    n = feat.shape[0]
    # message passing: copy_src -> mean reduce over incoming edges
    msgs = jnp.take(feat, src, axis=0)                       # gather [E, D]
    summed = jax.ops.segment_sum(msgs, dst, num_segments=n)  # scatter-add [N, D]
    deg = jax.ops.segment_sum(jnp.ones((msgs.shape[0],), dtype=feat.dtype), dst, num_segments=n)
    h_neigh = summed / jnp.maximum(deg, 1.0)[:, None]        # zero-degree nodes -> 0 (DGL mean semantics)
    h_self = feat
    rst = h_self @ W_self + b_self + h_neigh @ W_neigh + b_neigh
    return rst

if __name__ == "__main__":
    import jax
    _d = setup_inputs()
    print(jax.jit(kernel)(*tuple(_d.values())))

</pallas_src>

<mosaic_0001>
#map = affine_map<(d0, d1) -> (0, 0)>
#map1 = affine_map<(d0, d1) -> (0)>
#map2 = affine_map<(d0, d1) -> (0, 0, 0)>
module attributes {stable_mosaic.version = 14 : i64} {
  func.func @k(%arg0: i32, %arg1: i32, %arg2: memref<10000x128xf32, #tpu.memory_space<hbm>>, %arg3: memref<640000xi32, #tpu.memory_space<hbm>>, %arg4: memref<2x10240x128xf32, #tpu.memory_space<hbm>>, %arg5: memref<20480xf32, #tpu.memory_space<hbm>>, %arg6: memref<4x80xi32, #tpu.memory_space<vmem>>, %arg7: memref<4x80xi32, #tpu.memory_space<vmem>>, %arg8: memref<80x128xf32, #tpu.memory_space<vmem>>, %arg9: memref<80x128xf32, #tpu.memory_space<vmem>>, %arg10: memref<80x128xf32, #tpu.memory_space<vmem>>, %arg11: memref<80x128xf32, #tpu.memory_space<vmem>>, %arg12: memref<80xf32, #tpu.memory_space<vmem>>, %arg13: memref<640xf32, #tpu.memory_space<vmem>>, %arg14: memref<10240x128xf32, #tpu.memory_space<vmem_shared>>, %arg15: memref<10240xf32, #tpu.memory_space<vmem_shared>>, %arg16: memref<!tpu.dma_semaphore, #tpu.memory_space<semaphore_mem>>, %arg17: memref<!tpu.dma_semaphore, #tpu.memory_space<semaphore_mem>>, %arg18: memref<!tpu.dma_semaphore, #tpu.memory_space<semaphore_mem>>, %arg19: memref<!tpu.dma_semaphore, #tpu.memory_space<semaphore_mem>>, %arg20: memref<!tpu.dma_semaphore, #tpu.memory_space<semaphore_mem>>, %arg21: memref<!tpu.dma_semaphore, #tpu.memory_space<semaphore_mem>>, %arg22: memref<!tpu.dma_semaphore, #tpu.memory_space<semaphore_mem>>, %arg23: memref<!tpu.dma_semaphore, #tpu.memory_space<semaphore_mem>>, %arg24: memref<!tpu.dma_semaphore, #tpu.memory_space<semaphore_mem>>, %arg25: memref<!tpu.dma_semaphore, #tpu.memory_space<semaphore_mem>>, %arg26: memref<!tpu.dma_semaphore, #tpu.memory_space<semaphore_mem>>, %arg27: memref<!tpu.dma_semaphore, #tpu.memory_space<semaphore_mem>>) attributes {dimension_semantics = [#tpu.dimension_semantics<core_parallel>, #tpu.dimension_semantics<subcore_parallel>], iteration_bounds = array<i64: 2, 16>, scalar_prefetch = 0 : i64, scratch_operands = 22 : i64, tpu.core_type = #tpu.core_type<sc_vector_subcore>, window_params = [{transform_indices = #map}, {transform_indices = #map1}, {transform_indices = #map2}, {transform_indices = #map1}]} {
    %mul3A = arith.constant 16 : i32
    %mul3A_0 = arith.muli %arg0, %mul3A : i32
    %add3A = arith.addi %mul3A_0, %arg1 : i32
    %scan3A = arith.constant 0 : i32
    %scan3A_1 = arith.constant 0 : i32
    %scan3A_2 = arith.constant 640 : i32
    %scan3A_3 = arith.addi %scan3A_1, %scan3A_2 : i32
    %scan3A_4 = arith.constant 1 : i32
    scf.for %scan3A_187 = %scan3A_1 to %scan3A_3 step %scan3A_4  : i32 {
      %jit3A = arith.constant 8 : i32
      %div3A = arith.divsi %scan3A_187, %jit3A : i32
      %sign3A = arith.constant 0 : i32
      %sign3A_188 = arith.cmpi sgt, %scan3A_187, %sign3A : i32
      %sign3A_189 = arith.extui %sign3A_188 : i1 to i32
      %sign3A_190 = arith.constant 0 : i32
      %sign3A_191 = arith.cmpi slt, %scan3A_187, %sign3A_190 : i32
      %sign3A_192 = arith.extui %sign3A_191 : i1 to i32
      %sign3A_193 = arith.subi %sign3A_189, %sign3A_192 : i32
      %sign3A_194 = arith.constant 0 : i32
      %sign3A_195 = arith.cmpi sgt, %jit3A, %sign3A_194 : i32
      %sign3A_196 = arith.extui %sign3A_195 : i1 to i32
      %sign3A_197 = arith.constant 0 : i32
      %sign3A_198 = arith.cmpi slt, %jit3A, %sign3A_197 : i32
      %sign3A_199 = arith.extui %sign3A_198 : i1 to i32
      %sign3A_200 = arith.subi %sign3A_196, %sign3A_199 : i32
      %ne3A = arith.cmpi ne, %sign3A_193, %sign3A_200 : i32
      %rem3A = arith.remsi %scan3A_187, %jit3A : i32
      %ne3A_201 = arith.constant 0 : i32
      %ne3A_202 = arith.cmpi ne, %rem3A, %ne3A_201 : i32
      %and3A = arith.andi %ne3A, %ne3A_202 : i1
      %sub3A = arith.constant 1 : i32
      %sub3A_203 = arith.subi %div3A, %sub3A : i32
      %select_n3A = arith.select %and3A, %sub3A_203, %div3A : i32
      %jit3A_204 = arith.constant 8 : i32
      %eq3A = arith.constant 0 : i32
      %eq3A_205 = arith.cmpi eq, %jit3A_204, %eq3A : i32
      %jit3A_206 = arith.constant 1 : i32
      %select_n3A_207 = arith.select %eq3A_205, %jit3A_206, %jit3A_204 : i32
      %rem3A_208 = arith.remsi %scan3A_187, %select_n3A_207 : i32
      %ne3A_209 = arith.constant 0 : i32
      %ne3A_210 = arith.cmpi ne, %rem3A_208, %ne3A_209 : i32
      %lt3A = arith.constant 0 : i32
      %lt3A_211 = arith.cmpi slt, %rem3A_208, %lt3A : i32
      %lt3A_212 = arith.constant 0 : i32
      %lt3A_213 = arith.cmpi slt, %select_n3A_207, %lt3A_212 : i32
      %ne3A_214 = arith.xori %lt3A_211, %lt3A_213 : i1
      %and3A_215 = arith.andi %ne3A_214, %ne3A_210 : i1
      %add3A_216 = arith.addi %rem3A_208, %select_n3A_207 : i32
      %select_n3A_217 = arith.select %and3A_215, %add3A_216, %rem3A_208 : i32
      %mul3A_218 = arith.constant 16 : i32
      %mul3A_219 = arith.muli %select_n3A_217, %mul3A_218 : i32
      %broadcast_in_dim3A = arith.constant 0.000000e+00 : f32
      %broadcast_in_dim3A_220 = vector.broadcast %broadcast_in_dim3A : f32 to vector<16xf32>
      %swap3A = arith.index_cast %select_n3A : i32 to index
      %swap3A_221 = arith.index_cast %mul3A_219 : i32 to index
      %swap3A_222 = tpu.vector_load %arg8[%swap3A, %swap3A_221] {strides = array<i32>} : memref<80x128xf32, #tpu.memory_space<vmem>>, vector<1x16xf32>,
      %swap3A_223 = vector.shape_cast %swap3A_222 : vector<1x16xf32> to vector<16xf32>
      %swap3A_224 = vector.shape_cast %broadcast_in_dim3A_220 : vector<16xf32> to vector<1x16xf32>
      tpu.vector_store %arg8[%swap3A, %swap3A_221], %swap3A_224 {strides = array<i32>} : memref<80x128xf32, #tpu.memory_space<vmem>>, vector<1x16xf32>,
    }
    %scan3A_5 = arith.constant 640 : i32
    %scan3A_6 = arith.constant 0 : i32
    %scan3A_7 = arith.constant 0 : i32
    %scan3A_8 = arith.constant 40 : i32
    %scan3A_9 = arith.addi %scan3A_7, %scan3A_8 : i32
    %scan3A_10 = arith.constant 1 : i32
    scf.for %scan3A_187 = %scan3A_7 to %scan3A_9 step %scan3A_10  : i32 {
      %broadcast_in_dim3A = arith.constant 0.000000e+00 : f32
      %broadcast_in_dim3A_188 = vector.broadcast %broadcast_in_dim3A : f32 to vector<16xf32>
      %mul3A_189 = arith.constant 16 : i32
      %mul3A_190 = arith.muli %scan3A_187, %mul3A_189 : i32
      %swap3A = arith.index_cast %mul3A_190 : i32 to index
      %swap3A_191 = tpu.vector_load %arg13[%swap3A] {strides = array<i32>} : memref<640xf32, #tpu.memory_space<vmem>>, vector<16xf32>,
      %swap3A_192 = vector.shape_cast %swap3A_191 : vector<16xf32> to vector<16xf32>
      %swap3A_193 = vector.shape_cast %broadcast_in_dim3A_188 : vector<16xf32> to vector<16xf32>
      tpu.vector_store %arg13[%swap3A], %swap3A_193 {strides = array<i32>} : memref<640xf32, #tpu.memory_space<vmem>>, vector<16xf32>,
    }
    %scan3A_11 = arith.constant 40 : i32
    %scan3A_12 = arith.constant 0 : i32
    %scan3A_13 = arith.constant 0 : i32
    %scan3A_14 = arith.constant 5 : i32
    %scan3A_15 = arith.addi %scan3A_13, %scan3A_14 : i32
    %scan3A_16 = arith.constant 1 : i32
    scf.for %scan3A_187 = %scan3A_13 to %scan3A_15 step %scan3A_16  : i32 {
      %broadcast_in_dim3A = arith.constant 1.000000e+00 : f32
      %broadcast_in_dim3A_188 = vector.broadcast %broadcast_in_dim3A : f32 to vector<16xf32>
      %mul3A_189 = arith.constant 16 : i32
      %mul3A_190 = arith.muli %scan3A_187, %mul3A_189 : i32
      %swap3A = arith.index_cast %mul3A_190 : i32 to index
      %swap3A_191 = tpu.vector_load %arg12[%swap3A] {strides = array<i32>} : memref<80xf32, #tpu.memory_space<vmem>>, vector<16xf32>,
      %swap3A_192 = vector.shape_cast %swap3A_191 : vector<16xf32> to vector<16xf32>
      %swap3A_193 = vector.shape_cast %broadcast_in_dim3A_188 : vector<16xf32> to vector<16xf32>
      tpu.vector_store %arg12[%swap3A], %swap3A_193 {strides = array<i32>} : memref<80xf32, #tpu.memory_space<vmem>>, vector<16xf32>,
    }
    %scan3A_17 = arith.constant 5 : i32
    %mul3A_18 = arith.constant 640 : i32
    %mul3A_19 = arith.muli %arg1, %mul3A_18 : i32
    %multiple_of3A = tpu.assume_multiple %mul3A_19, 8 : i32
    %scan3A_20 = arith.constant 0 : i32
    %scan3A_21 = arith.constant 0 : i32
    %scan3A_22 = arith.constant 8 : i32
    %scan3A_23 = arith.addi %scan3A_21, %scan3A_22 : i32
    %scan3A_24 = arith.constant 1 : i32
    scf.for %scan3A_187 = %scan3A_21 to %scan3A_23 step %scan3A_24  : i32 {
      %mul3A_188 = arith.constant 80 : i32
      %mul3A_189 = arith.muli %scan3A_187, %mul3A_188 : i32
      %add3A_190 = arith.addi %multiple_of3A, %mul3A_189 : i32
      %multiple_of3A_191 = tpu.assume_multiple %add3A_190, 8 : i32
      "tpu.region"() ({
        %run_scoped3A = tpu.sem_alloc : memref<!tpu.dma_semaphore, #tpu.memory_space<semaphore_mem>>
        %dma_start3A_192 = arith.constant 0 : i32
        %dma_start3A_193 = tpu.memref_slice %arg14[%multiple_of3A_191, %dma_start3A_192] : memref<10240x128xf32, #tpu.memory_space<vmem_shared>> -> memref<80x128xf32, #tpu.memory_space<vmem_shared>>
        %dma_start3A_194 = arith.constant 0 : i32
        %dma_start3A_195 = tpu.memref_slice %arg14[%multiple_of3A_191, %dma_start3A_194] : memref<10240x128xf32, #tpu.memory_space<vmem_shared>> -> memref<80x128xf32, #tpu.memory_space<vmem_shared>>
        tpu.enqueue_dma source(%arg8 : memref<80x128xf32, #tpu.memory_space<vmem>>) target(%dma_start3A_195 : memref<80x128xf32, #tpu.memory_space<vmem_shared>>) target_semaphore(%run_scoped3A : memref<!tpu.dma_semaphore, #tpu.memory_space<semaphore_mem>>)
        %dma_wait3A_196 = arith.constant 0 : i32
        %dma_wait3A_197 = tpu.memref_slice %arg14[%multiple_of3A_191, %dma_wait3A_196] : memref<10240x128xf32, #tpu.memory_space<vmem_shared>> -> memref<80x128xf32, #tpu.memory_space<vmem_shared>>
        %dma_wait3A_198 = arith.constant 0 : i32
        %dma_wait3A_199 = tpu.memref_slice %arg14[%multiple_of3A_191, %dma_wait3A_198] : memref<10240x128xf32, #tpu.memory_space<vmem_shared>> -> memref<80x128xf32, #tpu.memory_space<vmem_shared>>
        tpu.wait_dma2 semaphore(%run_scoped3A : memref<!tpu.dma_semaphore, #tpu.memory_space<semaphore_mem>>) src(%arg8 : memref<80x128xf32, #tpu.memory_space<vmem>>) dst(%dma_wait3A_199 : memref<80x128xf32, #tpu.memory_space<vmem_shared>>)
        tpu.yield
      }) : () -> ()
    }
    %scan3A_25 = arith.constant 8 : i32
    "tpu.region"() ({
      %run_scoped3A = tpu.sem_alloc : memref<!tpu.dma_semaphore, #tpu.memory_space<semaphore_mem>>
      %dma_start3A_187 = tpu.memref_slice %arg15[%multiple_of3A] : memref<10240xf32, #tpu.memory_space<vmem_shared>> -> memref<640xf32, #tpu.memory_space<vmem_shared>>
      %dma_start3A_188 = tpu.memref_slice %arg15[%multiple_of3A] : memref<10240xf32, #tpu.memory_space<vmem_shared>> -> memref<640xf32, #tpu.memory_space<vmem_shared>>
      tpu.enqueue_dma source(%arg13 : memref<640xf32, #tpu.memory_space<vmem>>) target(%dma_start3A_188 : memref<640xf32, #tpu.memory_space<vmem_shared>>) target_semaphore(%run_scoped3A : memref<!tpu.dma_semaphore, #tpu.memory_space<semaphore_mem>>)
      %dma_wait3A_189 = tpu.memref_slice %arg15[%multiple_of3A] : memref<10240xf32, #tpu.memory_space<vmem_shared>> -> memref<640xf32, #tpu.memory_space<vmem_shared>>
      %dma_wait3A_190 = tpu.memref_slice %arg15[%multiple_of3A] : memref<10240xf32, #tpu.memory_space<vmem_shared>> -> memref<640xf32, #tpu.memory_space<vmem_shared>>
      tpu.wait_dma2 semaphore(%run_scoped3A : memref<!tpu.dma_semaphore, #tpu.memory_space<semaphore_mem>>) src(%arg13 : memref<640xf32, #tpu.memory_space<vmem>>) dst(%dma_wait3A_190 : memref<640xf32, #tpu.memory_space<vmem_shared>>)
      tpu.yield
    }) : () -> ()
    %barrier3A = arith.constant 0 : index
    tpu.barrier barrier_id(%barrier3A)
    %mul3A_26 = arith.constant 10000 : i32
    %mul3A_27 = arith.muli %add3A, %mul3A_26 : i32
    %add3A_28 = arith.constant 0 : i32
    %add3A_29 = arith.addi %mul3A_27, %add3A_28 : i32
    %dma_start3A = arith.constant 0 : i32
    %dma_start3A_30 = arith.constant 0 : i32
    %dma_start3A_31 = tpu.memref_slice %arg6[%dma_start3A, %dma_start3A_30] : memref<4x80xi32, #tpu.memory_space<vmem>> -> memref<1x80xi32, #tpu.memory_space<vmem>>
    %dma_start3A_32 = tpu.memref_squeeze %dma_start3A_31 : memref<1x80xi32, #tpu.memory_space<vmem>> -> memref<80xi32, #tpu.memory_space<vmem>>
    %dma_start3A_33 = tpu.memref_slice %arg3[%add3A_29] : memref<640000xi32, #tpu.memory_space<hbm>> -> memref<80xi32, #tpu.memory_space<hbm>>
    %dma_start3A_34 = arith.constant 0 : i32
    %dma_start3A_35 = tpu.memref_slice %arg6[%dma_start3A, %dma_start3A_34] : memref<4x80xi32, #tpu.memory_space<vmem>> -> memref<1x80xi32, #tpu.memory_space<vmem>>
    %dma_start3A_36 = tpu.memref_squeeze %dma_start3A_35 : memref<1x80xi32, #tpu.memory_space<vmem>> -> memref<80xi32, #tpu.memory_space<vmem>>
    %dma_start3A_37 = tpu.memref_slice %arg3[%add3A_29] : memref<640000xi32, #tpu.memory_space<hbm>> -> memref<80xi32, #tpu.memory_space<hbm>>
    tpu.enqueue_dma source(%dma_start3A_37 : memref<80xi32, #tpu.memory_space<hbm>>) target(%dma_start3A_36 : memref<80xi32, #tpu.memory_space<vmem>>) target_semaphore(%arg16 : memref<!tpu.dma_semaphore, #tpu.memory_space<semaphore_mem>>)
    %add3A_38 = arith.constant 320000 : i32
    %add3A_39 = arith.addi %add3A_38, %add3A_29 : i32
    %dma_start3A_40 = arith.constant 0 : i32
    %dma_start3A_41 = arith.constant 0 : i32
    %dma_start3A_42 = tpu.memref_slice %arg7[%dma_start3A_40, %dma_start3A_41] : memref<4x80xi32, #tpu.memory_space<vmem>> -> memref<1x80xi32, #tpu.memory_space<vmem>>
    %dma_start3A_43 = tpu.memref_squeeze %dma_start3A_42 : memref<1x80xi32, #tpu.memory_space<vmem>> -> memref<80xi32, #tpu.memory_space<vmem>>
    %dma_start3A_44 = tpu.memref_slice %arg3[%add3A_39] : memref<640000xi32, #tpu.memory_space<hbm>> -> memref<80xi32, #tpu.memory_space<hbm>>
    %dma_start3A_45 = arith.constant 0 : i32
    %dma_start3A_46 = tpu.memref_slice %arg7[%dma_start3A_40, %dma_start3A_45] : memref<4x80xi32, #tpu.memory_space<vmem>> -> memref<1x80xi32, #tpu.memory_space<vmem>>
    %dma_start3A_47 = tpu.memref_squeeze %dma_start3A_46 : memref<1x80xi32, #tpu.memory_space<vmem>> -> memref<80xi32, #tpu.memory_space<vmem>>
    %dma_start3A_48 = tpu.memref_slice %arg3[%add3A_39] : memref<640000xi32, #tpu.memory_space<hbm>> -> memref<80xi32, #tpu.memory_space<hbm>>
    tpu.enqueue_dma source(%dma_start3A_48 : memref<80xi32, #tpu.memory_space<hbm>>) target(%dma_start3A_47 : memref<80xi32, #tpu.memory_space<vmem>>) target_semaphore(%arg16 : memref<!tpu.dma_semaphore, #tpu.memory_space<semaphore_mem>>)
    %add3A_49 = arith.constant 80 : i32
    %add3A_50 = arith.addi %mul3A_27, %add3A_49 : i32
    %dma_start3A_51 = arith.constant 1 : i32
    %dma_start3A_52 = arith.constant 0 : i32
    %dma_start3A_53 = tpu.memref_slice %arg6[%dma_start3A_51, %dma_start3A_52] : memref<4x80xi32, #tpu.memory_space<vmem>> -> memref<1x80xi32, #tpu.memory_space<vmem>>
    %dma_start3A_54 = tpu.memref_squeeze %dma_start3A_53 : memref<1x80xi32, #tpu.memory_space<vmem>> -> memref<80xi32, #tpu.memory_space<vmem>>
    %dma_start3A_55 = tpu.memref_slice %arg3[%add3A_50] : memref<640000xi32, #tpu.memory_space<hbm>> -> memref<80xi32, #tpu.memory_space<hbm>>
    %dma_start3A_56 = arith.constant 0 : i32
    %dma_start3A_57 = tpu.memref_slice %arg6[%dma_start3A_51, %dma_start3A_56] : memref<4x80xi32, #tpu.memory_space<vmem>> -> memref<1x80xi32, #tpu.memory_space<vmem>>
    %dma_start3A_58 = tpu.memref_squeeze %dma_start3A_57 : memref<1x80xi32, #tpu.memory_space<vmem>> -> memref<80xi32, #tpu.memory_space<vmem>>
    %dma_start3A_59 = tpu.memref_slice %arg3[%add3A_50] : memref<640000xi32, #tpu.memory_space<hbm>> -> memref<80xi32, #tpu.memory_space<hbm>>
    tpu.enqueue_dma source(%dma_start3A_59 : memref<80xi32, #tpu.memory_space<hbm>>) target(%dma_start3A_58 : memref<80xi32, #tpu.memory_space<vmem>>) target_semaphore(%arg17 : memref<!tpu.dma_semaphore, #tpu.memory_space<semaphore_mem>>)
    %add3A_60 = arith.constant 320000 : i32
    %add3A_61 = arith.addi %add3A_60, %add3A_50 : i32
    %dma_start3A_62 = arith.constant 1 : i32
    %dma_start3A_63 = arith.constant 0 : i32
    %dma_start3A_64 = tpu.memref_slice %arg7[%dma_start3A_62, %dma_start3A_63] : memref<4x80xi32, #tpu.memory_space<vmem>> -> memref<1x80xi32, #tpu.memory_space<vmem>>
    %dma_start3A_65 = tpu.memref_squeeze %dma_start3A_64 : memref<1x80xi32, #tpu.memory_space<vmem>> -> memref<80xi32, #tpu.memory_space<vmem>>
    %dma_start3A_66 = tpu.memref_slice %arg3[%add3A_61] : memref<640000xi32, #tpu.memory_space<hbm>> -> memref<80xi32, #tpu.memory_space<hbm>>
    %dma_start3A_67 = arith.constant 0 : i32
    %dma_start3A_68 = tpu.memref_slice %arg7[%dma_start3A_62, %dma_start3A_67] : memref<4x80xi32, #tpu.memory_space<vmem>> -> memref<1x80xi32, #tpu.memory_space<vmem>>
    %dma_start3A_69 = tpu.memref_squeeze %dma_start3A_68 : memref<1x80xi32, #tpu.memory_space<vmem>> -> memref<80xi32, #tpu.memory_space<vmem>>
    %dma_start3A_70 = tpu.memref_slice %arg3[%add3A_61] : memref<640000xi32, #tpu.memory_space<hbm>> -> memref<80xi32, #tpu.memory_space<hbm>>
    tpu.enqueue_dma source(%dma_start3A_70 : memref<80xi32, #tpu.memory_space<hbm>>) target(%dma_start3A_69 : memref<80xi32, #tpu.memory_space<vmem>>) target_semaphore(%arg17 : memref<!tpu.dma_semaphore, #tpu.memory_space<semaphore_mem>>)
    %add3A_71 = arith.constant 0 : i32
    %add3A_72 = arith.addi %mul3A_27, %add3A_71 : i32
    %dma_wait3A = arith.constant 0 : i32
    %dma_wait3A_73 = arith.constant 0 : i32
    %dma_wait3A_74 = tpu.memref_slice %arg6[%dma_wait3A, %dma_wait3A_73] : memref<4x80xi32, #tpu.memory_space<vmem>> -> memref<1x80xi32, #tpu.memory_space<vmem>>
    %dma_wait3A_75 = tpu.memref_squeeze %dma_wait3A_74 : memref<1x80xi32, #tpu.memory_space<vmem>> -> memref<80xi32, #tpu.memory_space<vmem>>
    %dma_wait3A_76 = tpu.memref_slice %arg3[%add3A_72] : memref<640000xi32, #tpu.memory_space<hbm>> -> memref<80xi32, #tpu.memory_space<hbm>>
    %dma_wait3A_77 = arith.constant 0 : i32
    %dma_wait3A_78 = tpu.memref_slice %arg6[%dma_wait3A, %dma_wait3A_77] : memref<4x80xi32, #tpu.memory_space<vmem>> -> memref<1x80xi32, #tpu.memory_space<vmem>>
    %dma_wait3A_79 = tpu.memref_squeeze %dma_wait3A_78 : memref<1x80xi32, #tpu.memory_space<vmem>> -> memref<80xi32, #tpu.memory_space<vmem>>
    %dma_wait3A_80 = tpu.memref_slice %arg3[%add3A_72] : memref<640000xi32, #tpu.memory_space<hbm>> -> memref<80xi32, #tpu.memory_space<hbm>>
    tpu.wait_dma2 semaphore(%arg16 : memref<!tpu.dma_semaphore, #tpu.memory_space<semaphore_mem>>) src(%dma_wait3A_80 : memref<80xi32, #tpu.memory_space<hbm>>) dst(%dma_wait3A_79 : memref<80xi32, #tpu.memory_space<vmem>>)
    %add3A_81 = arith.constant 320000 : i32
    %add3A_82 = arith.addi %add3A_81, %add3A_72 : i32
    %dma_wait3A_83 = arith.constant 0 : i32
    %dma_wait3A_84 = arith.constant 0 : i32
    %dma_wait3A_85 = tpu.memref_slice %arg7[%dma_wait3A_83, %dma_wait3A_84] : memref<4x80xi32, #tpu.memory_space<vmem>> -> memref<1x80xi32, #tpu.memory_space<vmem>>
    %dma_wait3A_86 = tpu.memref_squeeze %dma_wait3A_85 : memref<1x80xi32, #tpu.memory_space<vmem>> -> memref<80xi32, #tpu.memory_space<vmem>>
    %dma_wait3A_87 = tpu.memref_slice %arg3[%add3A_82] : memref<640000xi32, #tpu.memory_space<hbm>> -> memref<80xi32, #tpu.memory_space<hbm>>
    %dma_wait3A_88 = arith.constant 0 : i32
    %dma_wait3A_89 = tpu.memref_slice %arg7[%dma_wait3A_83, %dma_wait3A_88] : memref<4x80xi32, #tpu.memory_space<vmem>> -> memref<1x80xi32, #tpu.memory_space<vmem>>
    %dma_wait3A_90 = tpu.memref_squeeze %dma_wait3A_89 : memref<1x80xi32, #tpu.memory_space<vmem>> -> memref<80xi32, #tpu.memory_space<vmem>>
    %dma_wait3A_91 = tpu.memref_slice %arg3[%add3A_82] : memref<640000xi32, #tpu.memory_space<hbm>> -> memref<80xi32, #tpu.memory_space<hbm>>
    tpu.wait_dma2 semaphore(%arg16 : memref<!tpu.dma_semaphore, #tpu.memory_space<semaphore_mem>>) src(%dma_wait3A_91 : memref<80xi32, #tpu.memory_space<hbm>>) dst(%dma_wait3A_90 : memref<80xi32, #tpu.memory_space<vmem>>)
    %dma_start3A_92 = arith.constant 0 : i32
    %dma_start3A_93 = arith.constant 0 : i32
    %dma_start3A_94 = tpu.memref_slice %arg6[%dma_start3A_92, %dma_start3A_93] : memref<4x80xi32, #tpu.memory_space<vmem>> -> memref<1x80xi32, #tpu.memory_space<vmem>>
    %dma_start3A_95 = tpu.memref_squeeze %dma_start3A_94 : memref<1x80xi32, #tpu.memory_space<vmem>> -> memref<80xi32, #tpu.memory_space<vmem>>
    %dma_start3A_96 = arith.constant 0 : i32
    %dma_start3A_97 = arith.constant 0 : i32
    %dma_start3A_98 = tpu.memref_slice %arg2[%dma_start3A_96, %dma_start3A_97] : memref<10000x128xf32, #tpu.memory_space<hbm>> -> memref<10000x128xf32, #tpu.memory_space<hbm>>
    tpu.enqueue_indirect_dma source(%dma_start3A_98 : memref<10000x128xf32, #tpu.memory_space<hbm>>) target(%arg8 : memref<80x128xf32, #tpu.memory_space<vmem>>) offsets(%dma_start3A_95 : memref<80xi32, #tpu.memory_space<vmem>>) semaphore(%arg20 : memref<!tpu.dma_semaphore, #tpu.memory_space<semaphore_mem>>)
    %scan3A_99 = arith.constant 0 : i32
    %scan3A_100 = arith.constant 0 : i32
    %scan3A_101 = arith.constant 31 : i32
    %scan3A_102 = arith.addi %scan3A_100, %scan3A_101 : i32
    %scan3A_103 = arith.constant 1 : i32
    scf.for %scan3A_187 = %scan3A_100 to %scan3A_102 step %scan3A_103  : i32 {
      %mul3A_188 = arith.constant 4 : i32
      %mul3A_189 = arith.muli %scan3A_187, %mul3A_188 : i32
      %add3A_190 = arith.constant 0 : i32
      %add3A_191 = arith.addi %mul3A_189, %add3A_190 : i32
      %add3A_192 = arith.constant 2 : i32
      %add3A_193 = arith.addi %add3A_191, %add3A_192 : i32
      %lt3A = arith.constant 125 : i32
      %lt3A_194 = arith.cmpi slt, %add3A_193, %lt3A : i32
      %convert_element_type3A = arith.extui %lt3A_194 : i1 to i32
      %cond3A = arith.constant 0 : i32
      %cond3A_195 = arith.cmpi ne, %convert_element_type3A, %cond3A : i32
      scf.if %cond3A_195 {
        %ge3A = arith.constant 2 : i32
        %ge3A_337 = arith.cmpi sge, %add3A_191, %ge3A : i32
        %convert_element_type3A_338 = arith.extui %ge3A_337 : i1 to i32
        %cond3A_339 = arith.constant 0 : i32
        %cond3A_340 = arith.cmpi ne, %convert_element_type3A_338, %cond3A_339 : i32
        scf.if %cond3A_340 {
          %dma_wait3A_366 = arith.constant 2 : i32
          %dma_wait3A_367 = arith.constant 0 : i32
          %dma_wait3A_368 = tpu.memref_slice %arg7[%dma_wait3A_366, %dma_wait3A_367] : memref<4x80xi32, #tpu.memory_space<vmem>> -> memref<1x80xi32, #tpu.memory_space<vmem>>
          %dma_wait3A_369 = tpu.memref_squeeze %dma_wait3A_368 : memref<1x80xi32, #tpu.memory_space<vmem>> -> memref<80xi32, #tpu.memory_space<vmem>>
          %dma_wait3A_370 = arith.constant 0 : i32
          %dma_wait3A_371 = arith.constant 0 : i32
          %dma_wait3A_372 = tpu.memref_slice %arg14[%dma_wait3A_370, %dma_wait3A_371] : memref<10240x128xf32, #tpu.memory_space<vmem_shared>> -> memref<10240x128xf32, #tpu.memory_space<vmem_shared>>
          tpu.wait_indirect_dma semaphore(%arg26 : memref<!tpu.dma_semaphore, #tpu.memory_space<semaphore_mem>>) src(%arg10 : memref<80x128xf32, #tpu.memory_space<vmem>>) dst(%dma_wait3A_372 : memref<10240x128xf32, #tpu.memory_space<vmem_shared>>)
          %dma_wait3A_373 = arith.constant 2 : i32
          %dma_wait3A_374 = arith.constant 0 : i32
          %dma_wait3A_375 = tpu.memref_slice %arg7[%dma_wait3A_373, %dma_wait3A_374] : memref<4x80xi32, #tpu.memory_space<vmem>> -> memref<1x80xi32, #tpu.memory_space<vmem>>
          %dma_wait3A_376 = tpu.memref_squeeze %dma_wait3A_375 : memref<1x80xi32, #tpu.memory_space<vmem>> -> memref<80xi32, #tpu.memory_space<vmem>>
          %dma_wait3A_377 = arith.constant 0 : i32
          %dma_wait3A_378 = tpu.memref_slice %arg15[%dma_wait3A_377] : memref<10240xf32, #tpu.memory_space<vmem_shared>> -> memref<10240xf32, #tpu.memory_space<vmem_shared>>
          tpu.wait_indirect_dma semaphore(%arg26 : memref<!tpu.dma_semaphore, #tpu.memory_space<semaphore_mem>>) src(%arg12 : memref<80xf32, #tpu.memory_space<vmem>>) dst(%dma_wait3A_378 : memref<10240xf32, #tpu.memory_space<vmem_shared>>)
        } else {
        }
        %add3A_341 = arith.constant 2 : i32
        %add3A_342 = arith.addi %add3A_191, %add3A_341 : i32
        %mul3A_343 = arith.constant 80 : i32
        %mul3A_344 = arith.muli %add3A_342, %mul3A_343 : i32
        %add3A_345 = arith.addi %mul3A_27, %mul3A_344 : i32
        %dma_start3A_346 = arith.constant 2 : i32
        %dma_start3A_347 = arith.constant 0 : i32
        %dma_start3A_348 = tpu.memref_slice %arg6[%dma_start3A_346, %dma_start3A_347] : memref<4x80xi32, #tpu.memory_space<vmem>> -> memref<1x80xi32, #tpu.memory_space<vmem>>
        %dma_start3A_349 = tpu.memref_squeeze %dma_start3A_348 : memref<1x80xi32, #tpu.memory_space<vmem>> -> memref<80xi32, #tpu.memory_space<vmem>>
        %dma_start3A_350 = tpu.memref_slice %arg3[%add3A_345] : memref<640000xi32, #tpu.memory_space<hbm>> -> memref<80xi32, #tpu.memory_space<hbm>>
        %dma_start3A_351 = arith.constant 0 : i32
        %dma_start3A_352 = tpu.memref_slice %arg6[%dma_start3A_346, %dma_start3A_351] : memref<4x80xi32, #tpu.memory_space<vmem>> -> memref<1x80xi32, #tpu.memory_space<vmem>>
        %dma_start3A_353 = tpu.memref_squeeze %dma_start3A_352 : memref<1x80xi32, #tpu.memory_space<vmem>> -> memref<80xi32, #tpu.memory_space<vmem>>
        %dma_start3A_354 = tpu.memref_slice %arg3[%add3A_345] : memref<640000xi32, #tpu.memory_space<hbm>> -> memref<80xi32, #tpu.memory_space<hbm>>
        tpu.enqueue_dma source(%dma_start3A_354 : memref<80xi32, #tpu.memory_space<hbm>>) target(%dma_start3A_353 : memref<80xi32, #tpu.memory_space<vmem>>) target_semaphore(%arg18 : memref<!tpu.dma_semaphore, #tpu.memory_space<semaphore_mem>>)
        %add3A_355 = arith.constant 320000 : i32
        %add3A_356 = arith.addi %add3A_355, %add3A_345 : i32
        %dma_start3A_357 = arith.constant 2 : i32
        %dma_start3A_358 = arith.constant 0 : i32
        %dma_start3A_359 = tpu.memref_slice %arg7[%dma_start3A_357, %dma_start3A_358] : memref<4x80xi32, #tpu.memory_space<vmem>> -> memref<1x80xi32, #tpu.memory_space<vmem>>
        %dma_start3A_360 = tpu.memref_squeeze %dma_start3A_359 : memref<1x80xi32, #tpu.memory_space<vmem>> -> memref<80xi32, #tpu.memory_space<vmem>>
        %dma_start3A_361 = tpu.memref_slice %arg3[%add3A_356] : memref<640000xi32, #tpu.memory_space<hbm>> -> memref<80xi32, #tpu.memory_space<hbm>>
        %dma_start3A_362 = arith.constant 0 : i32
        %dma_start3A_363 = tpu.memref_slice %arg7[%dma_start3A_357, %dma_start3A_362] : memref<4x80xi32, #tpu.memory_space<vmem>> -> memref<1x80xi32, #tpu.memory_space<vmem>>
        %dma_start3A_364 = tpu.memref_squeeze %dma_start3A_363 : memref<1x80xi32, #tpu.memory_space<vmem>> -> memref<80xi32, #tpu.memory_space<vmem>>
        %dma_start3A_365 = tpu.memref_slice %arg3[%add3A_356] : memref<640000xi32, #tpu.memory_space<hbm>> -> memref<80xi32, #tpu.memory_space<hbm>>
        tpu.enqueue_dma source(%dma_start3A_365 : memref<80xi32, #tpu.memory_space<hbm>>) target(%dma_start3A_364 : memref<80xi32, #tpu.memory_space<vmem>>) target_semaphore(%arg18 : memref<!tpu.dma_semaphore, #tpu.memory_space<semaphore_mem>>)
      } else {
      }
      %add3A_196 = arith.constant 1 : i32
      %add3A_197 = arith.addi %add3A_191, %add3A_196 : i32
      %lt3A_198 = arith.constant 125 : i32
      %lt3A_199 = arith.cmpi slt, %add3A_197, %lt3A_198 : i32
      %convert_element_type3A_200 = arith.extui %lt3A_199 : i1 to i32
      %cond3A_201 = arith.constant 0 : i32
      %cond3A_202 = arith.cmpi ne, %convert_element_type3A_200, %cond3A_201 : i32
      scf.if %cond3A_202 {
        %add3A_337 = arith.constant 1 : i32
        %add3A_338 = arith.addi %add3A_191, %add3A_337 : i32
        %mul3A_339 = arith.constant 80 : i32
        %mul3A_340 = arith.muli %add3A_338, %mul3A_339 : i32
        %add3A_341 = arith.addi %mul3A_27, %mul3A_340 : i32
        %dma_wait3A_342 = arith.constant 1 : i32
        %dma_wait3A_343 = arith.constant 0 : i32
        %dma_wait3A_344 = tpu.memref_slice %arg6[%dma_wait3A_342, %dma_wait3A_343] : memref<4x80xi32, #tpu.memory_space<vmem>> -> memref<1x80xi32, #tpu.memory_space<vmem>>
        %dma_wait3A_345 = tpu.memref_squeeze %dma_wait3A_344 : memref<1x80xi32, #tpu.memory_space<vmem>> -> memref<80xi32, #tpu.memory_space<vmem>>
        %dma_wait3A_346 = tpu.memref_slice %arg3[%add3A_341] : memref<640000xi32, #tpu.memory_space<hbm>> -> memref<80xi32, #tpu.memory_space<hbm>>
        %dma_wait3A_347 = arith.constant 0 : i32
        %dma_wait3A_348 = tpu.memref_slice %arg6[%dma_wait3A_342, %dma_wait3A_347] : memref<4x80xi32, #tpu.memory_space<vmem>> -> memref<1x80xi32, #tpu.memory_space<vmem>>
        %dma_wait3A_349 = tpu.memref_squeeze %dma_wait3A_348 : memref<1x80xi32, #tpu.memory_space<vmem>> -> memref<80xi32, #tpu.memory_space<vmem>>
        %dma_wait3A_350 = tpu.memref_slice %arg3[%add3A_341] : memref<640000xi32, #tpu.memory_space<hbm>> -> memref<80xi32, #tpu.memory_space<hbm>>
        tpu.wait_dma2 semaphore(%arg17 : memref<!tpu.dma_semaphore, #tpu.memory_space<semaphore_mem>>) src(%dma_wait3A_350 : memref<80xi32, #tpu.memory_space<hbm>>) dst(%dma_wait3A_349 : memref<80xi32, #tpu.memory_space<vmem>>)
        %add3A_351 = arith.constant 320000 : i32
        %add3A_352 = arith.addi %add3A_351, %add3A_341 : i32
        %dma_wait3A_353 = arith.constant 1 : i32
        %dma_wait3A_354 = arith.constant 0 : i32
        %dma_wait3A_355 = tpu.memref_slice %arg7[%dma_wait3A_353, %dma_wait3A_354] : memref<4x80xi32, #tpu.memory_space<vmem>> -> memref<1x80xi32, #tpu.memory_space<vmem>>
        %dma_wait3A_356 = tpu.memref_squeeze %dma_wait3A_355 : memref<1x80xi32, #tpu.memory_space<vmem>> -> memref<80xi32, #tpu.memory_space<vmem>>
        %dma_wait3A_357 = tpu.memref_slice %arg3[%add3A_352] : memref<640000xi32, #tpu.memory_space<hbm>> -> memref<80xi32, #tpu.memory_space<hbm>>
        %dma_wait3A_358 = arith.constant 0 : i32
        %dma_wait3A_359 = tpu.memref_slice %arg7[%dma_wait3A_353, %dma_wait3A_358] : memref<4x80xi32, #tpu.memory_space<vmem>> -> memref<1x80xi32, #tpu.memory_space<vmem>>
        %dma_wait3A_360 = tpu.memref_squeeze %dma_wait3A_359 : memref<1x80xi32, #tpu.memory_space<vmem>> -> memref<80xi32, #tpu.memory_space<vmem>>
        %dma_wait3A_361 = tpu.memref_slice %arg3[%add3A_352] : memref<640000xi32, #tpu.memory_space<hbm>> -> memref<80xi32, #tpu.memory_space<hbm>>
        tpu.wait_dma2 semaphore(%arg17 : memref<!tpu.dma_semaphore, #tpu.memory_space<semaphore_mem>>) src(%dma_wait3A_361 : memref<80xi32, #tpu.memory_space<hbm>>) dst(%dma_wait3A_360 : memref<80xi32, #tpu.memory_space<vmem>>)
        %dma_start3A_362 = arith.constant 1 : i32
        %dma_start3A_363 = arith.constant 0 : i32
        %dma_start3A_364 = tpu.memref_slice %arg6[%dma_start3A_362, %dma_start3A_363] : memref<4x80xi32, #tpu.memory_space<vmem>> -> memref<1x80xi32, #tpu.memory_space<vmem>>
        %dma_start3A_365 = tpu.memref_squeeze %dma_start3A_364 : memref<1x80xi32, #tpu.memory_space<vmem>> -> memref<80xi32, #tpu.memory_space<vmem>>
        %dma_start3A_366 = arith.constant 0 : i32
        %dma_start3A_367 = arith.constant 0 : i32
        %dma_start3A_368 = tpu.memref_slice %arg2[%dma_start3A_366, %dma_start3A_367] : memref<10000x128xf32, #tpu.memory_space<hbm>> -> memref<10000x128xf32, #tpu.memory_space<hbm>>
        tpu.enqueue_indirect_dma source(%dma_start3A_368 : memref<10000x128xf32, #tpu.memory_space<hbm>>) target(%arg9 : memref<80x128xf32, #tpu.memory_space<vmem>>) offsets(%dma_start3A_365 : memref<80xi32, #tpu.memory_space<vmem>>) semaphore(%arg21 : memref<!tpu.dma_semaphore, #tpu.memory_space<semaphore_mem>>)
      } else {
      }
      %dma_wait3A_203 = arith.constant 0 : i32
      %dma_wait3A_204 = arith.constant 0 : i32
      %dma_wait3A_205 = tpu.memref_slice %arg6[%dma_wait3A_203, %dma_wait3A_204] : memref<4x80xi32, #tpu.memory_space<vmem>> -> memref<1x80xi32, #tpu.memory_space<vmem>>
      %dma_wait3A_206 = tpu.memref_squeeze %dma_wait3A_205 : memref<1x80xi32, #tpu.memory_space<vmem>> -> memref<80xi32, #tpu.memory_space<vmem>>
      %dma_wait3A_207 = arith.constant 0 : i32
      %dma_wait3A_208 = arith.constant 0 : i32
      %dma_wait3A_209 = tpu.memref_slice %arg2[%dma_wait3A_207, %dma_wait3A_208] : memref<10000x128xf32, #tpu.memory_space<hbm>> -> memref<10000x128xf32, #tpu.memory_space<hbm>>
      tpu.wait_indirect_dma semaphore(%arg20 : memref<!tpu.dma_semaphore, #tpu.memory_space<semaphore_mem>>) src(%dma_wait3A_209 : memref<10000x128xf32, #tpu.memory_space<hbm>>) dst(%arg8 : memref<80x128xf32, #tpu.memory_space<vmem>>)
      %dma_start3A_210 = arith.constant 0 : i32
      %dma_start3A_211 = arith.constant 0 : i32
      %dma_start3A_212 = tpu.memref_slice %arg7[%dma_start3A_210, %dma_start3A_211] : memref<4x80xi32, #tpu.memory_space<vmem>> -> memref<1x80xi32, #tpu.memory_space<vmem>>
      %dma_start3A_213 = tpu.memref_squeeze %dma_start3A_212 : memref<1x80xi32, #tpu.memory_space<vmem>> -> memref<80xi32, #tpu.memory_space<vmem>>
      %dma_start3A_214 = arith.constant 0 : i32
      %dma_start3A_215 = arith.constant 0 : i32
      %dma_start3A_216 = tpu.memref_slice %arg14[%dma_start3A_214, %dma_start3A_215] : memref<10240x128xf32, #tpu.memory_space<vmem_shared>> -> memref<10240x128xf32, #tpu.memory_space<vmem_shared>>
      tpu.enqueue_indirect_dma source(%arg8 : memref<80x128xf32, #tpu.memory_space<vmem>>) target(%dma_start3A_216 : memref<10240x128xf32, #tpu.memory_space<vmem_shared>>) offsets(%dma_start3A_213 : memref<80xi32, #tpu.memory_space<vmem>>) semaphore(%arg24 : memref<!tpu.dma_semaphore, #tpu.memory_space<semaphore_mem>>) {add = true}
      %dma_start3A_217 = arith.constant 0 : i32
      %dma_start3A_218 = arith.constant 0 : i32
      %dma_start3A_219 = tpu.memref_slice %arg7[%dma_start3A_217, %dma_start3A_218] : memref<4x80xi32, #tpu.memory_space<vmem>> -> memref<1x80xi32, #tpu.memory_space<vmem>>
      %dma_start3A_220 = tpu.memref_squeeze %dma_start3A_219 : memref<1x80xi32, #tpu.memory_space<vmem>> -> memref<80xi32, #tpu.memory_space<vmem>>
      %dma_start3A_221 = arith.constant 0 : i32
      %dma_start3A_222 = tpu.memref_slice %arg15[%dma_start3A_221] : memref<10240xf32, #tpu.memory_space<vmem_shared>> -> memref<10240xf32, #tpu.memory_space<vmem_shared>>
      tpu.enqueue_indirect_dma source(%arg12 : memref<80xf32, #tpu.memory_space<vmem>>) target(%dma_start3A_222 : memref<10240xf32, #tpu.memory_space<vmem_shared>>) offsets(%dma_start3A_220 : memref<80xi32, #tpu.memory_space<vmem>>) semaphore(%arg24 : memref<!tpu.dma_semaphore, #tpu.memory_space<semaphore_mem>>) {add = true}
      %mul3A_223 = arith.constant 4 : i32
      %mul3A_224 = arith.muli %scan3A_187, %mul3A_223 : i32
      %add3A_225 = arith.constant 1 : i32
      %add3A_226 = arith.addi %mul3A_224, %add3A_225 : i32
      %add3A_227 = arith.constant 2 : i32
      %add3A_228 = arith.addi %add3A_226, %add3A_227 : i32
      %lt3A_229 = arith.constant 125 : i32
      %lt3A_230 = arith.cmpi slt, %add3A_228, %lt3A_229 : i32
      %convert_element_type3A_231 = arith.extui %lt3A_230 : i1 to i32
      %cond3A_232 = arith.constant 0 : i32
      %cond3A_233 = arith.cmpi ne, %convert_element_type3A_231, %cond3A_232 : i32
      scf.if %cond3A_233 {
        %ge3A = arith.constant 2 : i32
        %ge3A_337 = arith.cmpi sge, %add3A_226, %ge3A : i32
        %convert_element_type3A_338 = arith.extui %ge3A_337 : i1 to i32
        %cond3A_339 = arith.constant 0 : i32
        %cond3A_340 = arith.cmpi ne, %convert_element_type3A_338, %cond3A_339 : i32
        scf.if %cond3A_340 {
          %dma_wait3A_366 = arith.constant 3 : i32
          %dma_wait3A_367 = arith.constant 0 : i32
          %dma_wait3A_368 = tpu.memref_slice %arg7[%dma_wait3A_366, %dma_wait3A_367] : memref<4x80xi32, #tpu.memory_space<vmem>> -> memref<1x80xi32, #tpu.memory_space<vmem>>
          %dma_wait3A_369 = tpu.memref_squeeze %dma_wait3A_368 : memref<1x80xi32, #tpu.memory_space<vmem>> -> memref<80xi32, #tpu.memory_space<vmem>>
          %dma_wait3A_370 = arith.constant 0 : i32
          %dma_wait3A_371 = arith.constant 0 : i32
          %dma_wait3A_372 = tpu.memref_slice %arg14[%dma_wait3A_370, %dma_wait3A_371] : memref<10240x128xf32, #tpu.memory_space<vmem_shared>> -> memref<10240x128xf32, #tpu.memory_space<vmem_shared>>
          tpu.wait_indirect_dma semaphore(%arg27 : memref<!tpu.dma_semaphore, #tpu.memory_space<semaphore_mem>>) src(%arg11 : memref<80x128xf32, #tpu.memory_space<vmem>>) dst(%dma_wait3A_372 : memref<10240x128xf32, #tpu.memory_space<vmem_shared>>)
          %dma_wait3A_373 = arith.constant 3 : i32
          %dma_wait3A_374 = arith.constant 0 : i32
          %dma_wait3A_375 = tpu.memref_slice %arg7[%dma_wait3A_373, %dma_wait3A_374] : memref<4x80xi32, #tpu.memory_space<vmem>> -> memref<1x80xi32, #tpu.memory_space<vmem>>
          %dma_wait3A_376 = tpu.memref_squeeze %dma_wait3A_375 : memref<1x80xi32, #tpu.memory_space<vmem>> -> memref<80xi32, #tpu.memory_space<vmem>>
          %dma_wait3A_377 = arith.constant 0 : i32
          %dma_wait3A_378 = tpu.memref_slice %arg15[%dma_wait3A_377] : memref<10240xf32, #tpu.memory_space<vmem_shared>> -> memref<10240xf32, #tpu.memory_space<vmem_shared>>
          tpu.wait_indirect_dma semaphore(%arg27 : memref<!tpu.dma_semaphore, #tpu.memory_space<semaphore_mem>>) src(%arg12 : memref<80xf32, #tpu.memory_space<vmem>>) dst(%dma_wait3A_378 : memref<10240xf32, #tpu.memory_space<vmem_shared>>)
        } else {
        }
        %add3A_341 = arith.constant 2 : i32
        %add3A_342 = arith.addi %add3A_226, %add3A_341 : i32
        %mul3A_343 = arith.constant 80 : i32
        %mul3A_344 = arith.muli %add3A_342, %mul3A_343 : i32
        %add3A_345 = arith.addi %mul3A_27, %mul3A_344 : i32
        %dma_start3A_346 = arith.constant 3 : i32
        %dma_start3A_347 = arith.constant 0 : i32
        %dma_start3A_348 = tpu.memref_slice %arg6[%dma_start3A_346, %dma_start3A_347] : memref<4x80xi32, #tpu.memory_space<vmem>> -> memref<1x80xi32, #tpu.memory_space<vmem>>
        %dma_start3A_349 = tpu.memref_squeeze %dma_start3A_348 : memref<1x80xi32, #tpu.memory_space<vmem>> -> memref<80xi32, #tpu.memory_space<vmem>>
        %dma_start3A_350 = tpu.memref_slice %arg3[%add3A_345] : memref<640000xi32, #tpu.memory_space<hbm>> -> memref<80xi32, #tpu.memory_space<hbm>>
        %dma_start3A_351 = arith.constant 0 : i32
        %dma_start3A_352 = tpu.memref_slice %arg6[%dma_start3A_346, %dma_start3A_351] : memref<4x80xi32, #tpu.memory_space<vmem>> -> memref<1x80xi32, #tpu.memory_space<vmem>>
        %dma_start3A_353 = tpu.memref_squeeze %dma_start3A_352 : memref<1x80xi32, #tpu.memory_space<vmem>> -> memref<80xi32, #tpu.memory_space<vmem>>
        %dma_start3A_354 = tpu.memref_slice %arg3[%add3A_345] : memref<640000xi32, #tpu.memory_space<hbm>> -> memref<80xi32, #tpu.memory_space<hbm>>
        tpu.enqueue_dma source(%dma_start3A_354 : memref<80xi32, #tpu.memory_space<hbm>>) target(%dma_start3A_353 : memref<80xi32, #tpu.memory_space<vmem>>) target_semaphore(%arg19 : memref<!tpu.dma_semaphore, #tpu.memory_space<semaphore_mem>>)
        %add3A_355 = arith.constant 320000 : i32
        %add3A_356 = arith.addi %add3A_355, %add3A_345 : i32
        %dma_start3A_357 = arith.constant 3 : i32
        %dma_start3A_358 = arith.constant 0 : i32
        %dma_start3A_359 = tpu.memref_slice %arg7[%dma_start3A_357, %dma_start3A_358] : memref<4x80xi32, #tpu.memory_space<vmem>> -> memref<1x80xi32, #tpu.memory_space<vmem>>
        %dma_start3A_360 = tpu.memref_squeeze %dma_start3A_359 : memref<1x80xi32, #tpu.memory_space<vmem>> -> memref<80xi32, #tpu.memory_space<vmem>>
        %dma_start3A_361 = tpu.memref_slice %arg3[%add3A_356] : memref<640000xi32, #tpu.memory_space<hbm>> -> memref<80xi32, #tpu.memory_space<hbm>>
        %dma_start3A_362 = arith.constant 0 : i32
        %dma_start3A_363 = tpu.memref_slice %arg7[%dma_start3A_357, %dma_start3A_362] : memref<4x80xi32, #tpu.memory_space<vmem>> -> memref<1x80xi32, #tpu.memory_space<vmem>>
        %dma_start3A_364 = tpu.memref_squeeze %dma_start3A_363 : memref<1x80xi32, #tpu.memory_space<vmem>> -> memref<80xi32, #tpu.memory_space<vmem>>
        %dma_start3A_365 = tpu.memref_slice %arg3[%add3A_356] : memref<640000xi32, #tpu.memory_space<hbm>> -> memref<80xi32, #tpu.memory_space<hbm>>
        tpu.enqueue_dma source(%dma_start3A_365 : memref<80xi32, #tpu.memory_space<hbm>>) target(%dma_start3A_364 : memref<80xi32, #tpu.memory_space<vmem>>) target_semaphore(%arg19 : memref<!tpu.dma_semaphore, #tpu.memory_space<semaphore_mem>>)
      } else {
      }
      %add3A_234 = arith.constant 1 : i32
      %add3A_235 = arith.addi %add3A_226, %add3A_234 : i32
      %lt3A_236 = arith.constant 125 : i32
      %lt3A_237 = arith.cmpi slt, %add3A_235, %lt3A_236 : i32
      %convert_element_type3A_238 = arith.extui %lt3A_237 : i1 to i32
      %cond3A_239 = arith.constant 0 : i32
      %cond3A_240 = arith.cmpi ne, %convert_element_type3A_238, %cond3A_239 : i32
      scf.if %cond3A_240 {
        %add3A_337 = arith.constant 1 : i32
        %add3A_338 = arith.addi %add3A_226, %add3A_337 : i32
        %mul3A_339 = arith.constant 80 : i32
        %mul3A_340 = arith.muli %add3A_338, %mul3A_339 : i32
        %add3A_341 = arith.addi %mul3A_27, %mul3A_340 : i32
        %dma_wait3A_342 = arith.constant 2 : i32
        %dma_wait3A_343 = arith.constant 0 : i32
        %dma_wait3A_344 = tpu.memref_slice %arg6[%dma_wait3A_342, %dma_wait3A_343] : memref<4x80xi32, #tpu.memory_space<vmem>> -> memref<1x80xi32, #tpu.memory_space<vmem>>
        %dma_wait3A_345 = tpu.memref_squeeze %dma_wait3A_344 : memref<1x80xi32, #tpu.memory_space<vmem>> -> memref<80xi32, #tpu.memory_space<vmem>>
        %dma_wait3A_346 = tpu.memref_slice %arg3[%add3A_341] : memref<640000xi32, #tpu.memory_space<hbm>> -> memref<80xi32, #tpu.memory_space<hbm>>
        %dma_wait3A_347 = arith.constant 0 : i32
        %dma_wait3A_348 = tpu.memref_slice %arg6[%dma_wait3A_342, %dma_wait3A_347] : memref<4x80xi32, #tpu.memory_space<vmem>> -> memref<1x80xi32, #tpu.memory_space<vmem>>
        %dma_wait3A_349 = tpu.memref_squeeze %dma_wait3A_348 : memref<1x80xi32, #tpu.memory_space<vmem>> -> memref<80xi32, #tpu.memory_space<vmem>>
        %dma_wait3A_350 = tpu.memref_slice %arg3[%add3A_341] : memref<640000xi32, #tpu.memory_space<hbm>> -> memref<80xi32, #tpu.memory_space<hbm>>
        tpu.wait_dma2 semaphore(%arg18 : memref<!tpu.dma_semaphore, #tpu.memory_space<semaphore_mem>>) src(%dma_wait3A_350 : memref<80xi32, #tpu.memory_space<hbm>>) dst(%dma_wait3A_349 : memref<80xi32, #tpu.memory_space<vmem>>)
        %add3A_351 = arith.constant 320000 : i32
        %add3A_352 = arith.addi %add3A_351, %add3A_341 : i32
        %dma_wait3A_353 = arith.constant 2 : i32
        %dma_wait3A_354 = arith.constant 0 : i32
        %dma_wait3A_355 = tpu.memref_slice %arg7[%dma_wait3A_353, %dma_wait3A_354] : memref<4x80xi32, #tpu.memory_space<vmem>> -> memref<1x80xi32, #tpu.memory_space<vmem>>
        %dma_wait3A_356 = tpu.memref_squeeze %dma_wait3A_355 : memref<1x80xi32, #tpu.memory_space<vmem>> -> memref<80xi32, #tpu.memory_space<vmem>>
        %dma_wait3A_357 = tpu.memref_slice %arg3[%add3A_352] : memref<640000xi32, #tpu.memory_space<hbm>> -> memref<80xi32, #tpu.memory_space<hbm>>
        %dma_wait3A_358 = arith.constant 0 : i32
        %dma_wait3A_359 = tpu.memref_slice %arg7[%dma_wait3A_353, %dma_wait3A_358] : memref<4x80xi32, #tpu.memory_space<vmem>> -> memref<1x80xi32, #tpu.memory_space<vmem>>
        %dma_wait3A_360 = tpu.memref_squeeze %dma_wait3A_359 : memref<1x80xi32, #tpu.memory_space<vmem>> -> memref<80xi32, #tpu.memory_space<vmem>>
        %dma_wait3A_361 = tpu.memref_slice %arg3[%add3A_352] : memref<640000xi32, #tpu.memory_space<hbm>> -> memref<80xi32, #tpu.memory_space<hbm>>
        tpu.wait_dma2 semaphore(%arg18 : memref<!tpu.dma_semaphore, #tpu.memory_space<semaphore_mem>>) src(%dma_wait3A_361 : memref<80xi32, #tpu.memory_space<hbm>>) dst(%dma_wait3A_360 : memref<80xi32, #tpu.memory_space<vmem>>)
        %dma_start3A_362 = arith.constant 2 : i32
        %dma_start3A_363 = arith.constant 0 : i32
        %dma_start3A_364 = tpu.memref_slice %arg6[%dma_start3A_362, %dma_start3A_363] : memref<4x80xi32, #tpu.memory_space<vmem>> -> memref<1x80xi32, #tpu.memory_space<vmem>>
        %dma_start3A_365 = tpu.memref_squeeze %dma_start3A_364 : memref<1x80xi32, #tpu.memory_space<vmem>> -> memref<80xi32, #tpu.memory_space<vmem>>
        %dma_start3A_366 = arith.constant 0 : i32
        %dma_start3A_367 = arith.constant 0 : i32
        %dma_start3A_368 = tpu.memref_slice %arg2[%dma_start3A_366, %dma_start3A_367] : memref<10000x128xf32, #tpu.memory_space<hbm>> -> memref<10000x128xf32, #tpu.memory_space<hbm>>
        tpu.enqueue_indirect_dma source(%dma_start3A_368 : memref<10000x128xf32, #tpu.memory_space<hbm>>) target(%arg10 : memref<80x128xf32, #tpu.memory_space<vmem>>) offsets(%dma_start3A_365 : memref<80xi32, #tpu.memory_space<vmem>>) semaphore(%arg22 : memref<!tpu.dma_semaphore, #tpu.memory_space<semaphore_mem>>)
      } else {
      }
      %dma_wait3A_241 = arith.constant 1 : i32
      %dma_wait3A_242 = arith.constant 0 : i32
      %dma_wait3A_243 = tpu.memref_slice %arg6[%dma_wait3A_241, %dma_wait3A_242] : memref<4x80xi32, #tpu.memory_space<vmem>> -> memref<1x80xi32, #tpu.memory_space<vmem>>
      %dma_wait3A_244 = tpu.memref_squeeze %dma_wait3A_243 : memref<1x80xi32, #tpu.memory_space<vmem>> -> memref<80xi32, #tpu.memory_space<vmem>>
      %dma_wait3A_245 = arith.constant 0 : i32
      %dma_wait3A_246 = arith.constant 0 : i32
      %dma_wait3A_247 = tpu.memref_slice %arg2[%dma_wait3A_245, %dma_wait3A_246] : memref<10000x128xf32, #tpu.memory_space<hbm>> -> memref<10000x128xf32, #tpu.memory_space<hbm>>
      tpu.wait_indirect_dma semaphore(%arg21 : memref<!tpu.dma_semaphore, #tpu.memory_space<semaphore_mem>>) src(%dma_wait3A_247 : memref<10000x128xf32, #tpu.memory_space<hbm>>) dst(%arg9 : memref<80x128xf32, #tpu.memory_space<vmem>>)
      %dma_start3A_248 = arith.constant 1 : i32
      %dma_start3A_249 = arith.constant 0 : i32
      %dma_start3A_250 = tpu.memref_slice %arg7[%dma_start3A_248, %dma_start3A_249] : memref<4x80xi32, #tpu.memory_space<vmem>> -> memref<1x80xi32, #tpu.memory_space<vmem>>
      %dma_start3A_251 = tpu.memref_squeeze %dma_start3A_250 : memref<1x80xi32, #tpu.memory_space<vmem>> -> memref<80xi32, #tpu.memory_space<vmem>>
      %dma_start3A_252 = arith.constant 0 : i32
      %dma_start3A_253 = arith.constant 0 : i32
      %dma_start3A_254 = tpu.memref_slice %arg14[%dma_start3A_252, %dma_start3A_253] : memref<10240x128xf32, #tpu.memory_space<vmem_shared>> -> memref<10240x128xf32, #tpu.memory_space<vmem_shared>>
      tpu.enqueue_indirect_dma source(%arg9 : memref<80x128xf32, #tpu.memory_space<vmem>>) target(%dma_start3A_254 : memref<10240x128xf32, #tpu.memory_space<vmem_shared>>) offsets(%dma_start3A_251 : memref<80xi32, #tpu.memory_space<vmem>>) semaphore(%arg25 : memref<!tpu.dma_semaphore, #tpu.memory_space<semaphore_mem>>) {add = true}
      %dma_start3A_255 = arith.constant 1 : i32
      %dma_start3A_256 = arith.constant 0 : i32
      %dma_start3A_257 = tpu.memref_slice %arg7[%dma_start3A_255, %dma_start3A_256] : memref<4x80xi32, #tpu.memory_space<vmem>> -> memref<1x80xi32, #tpu.memory_space<vmem>>
      %dma_start3A_258 = tpu.memref_squeeze %dma_start3A_257 : memref<1x80xi32, #tpu.memory_space<vmem>> -> memref<80xi32, #tpu.memory_space<vmem>>
      %dma_start3A_259 = arith.constant 0 : i32
      %dma_start3A_260 = tpu.memref_slice %arg15[%dma_start3A_259] : memref<10240xf32, #tpu.memory_space<vmem_shared>> -> memref<10240xf32, #tpu.memory_space<vmem_shared>>
      tpu.enqueue_indirect_dma source(%arg12 : memref<80xf32, #tpu.memory_space<vmem>>) target(%dma_start3A_260 : memref<10240xf32, #tpu.memory_space<vmem_shared>>) offsets(%dma_start3A_258 : memref<80xi32, #tpu.memory_space<vmem>>) semaphore(%arg25 : memref<!tpu.dma_semaphore, #tpu.memory_space<semaphore_mem>>) {add = true}
      %mul3A_261 = arith.constant 4 : i32
      %mul3A_262 = arith.muli %scan3A_187, %mul3A_261 : i32
      %add3A_263 = arith.constant 2 : i32
      %add3A_264 = arith.addi %mul3A_262, %add3A_263 : i32
      %add3A_265 = arith.constant 2 : i32
      %add3A_266 = arith.addi %add3A_264, %add3A_265 : i32
      %lt3A_267 = arith.constant 125 : i32
      %lt3A_268 = arith.cmpi slt, %add3A_266, %lt3A_267 : i32
      %convert_element_type3A_269 = arith.extui %lt3A_268 : i1 to i32
      %cond3A_270 = arith.constant 0 : i32
      %cond3A_271 = arith.cmpi ne, %convert_element_type3A_269, %cond3A_270 : i32
      scf.if %cond3A_271 {
        %ge3A = arith.constant 2 : i32
        %ge3A_337 = arith.cmpi sge, %add3A_264, %ge3A : i32
        %convert_element_type3A_338 = arith.extui %ge3A_337 : i1 to i32
        %cond3A_339 = arith.constant 0 : i32
        %cond3A_340 = arith.cmpi ne, %convert_element_type3A_338, %cond3A_339 : i32
        scf.if %cond3A_340 {
          %dma_wait3A_366 = arith.constant 0 : i32
          %dma_wait3A_367 = arith.constant 0 : i32
          %dma_wait3A_368 = tpu.memref_slice %arg7[%dma_wait3A_366, %dma_wait3A_367] : memref<4x80xi32, #tpu.memory_space<vmem>> -> memref<1x80xi32, #tpu.memory_space<vmem>>
          %dma_wait3A_369 = tpu.memref_squeeze %dma_wait3A_368 : memref<1x80xi32, #tpu.memory_space<vmem>> -> memref<80xi32, #tpu.memory_space<vmem>>
          %dma_wait3A_370 = arith.constant 0 : i32
          %dma_wait3A_371 = arith.constant 0 : i32
          %dma_wait3A_372 = tpu.memref_slice %arg14[%dma_wait3A_370, %dma_wait3A_371] : memref<10240x128xf32, #tpu.memory_space<vmem_shared>> -> memref<10240x128xf32, #tpu.memory_space<vmem_shared>>
          tpu.wait_indirect_dma semaphore(%arg24 : memref<!tpu.dma_semaphore, #tpu.memory_space<semaphore_mem>>) src(%arg8 : memref<80x128xf32, #tpu.memory_space<vmem>>) dst(%dma_wait3A_372 : memref<10240x128xf32, #tpu.memory_space<vmem_shared>>)
          %dma_wait3A_373 = arith.constant 0 : i32
          %dma_wait3A_374 = arith.constant 0 : i32
          %dma_wait3A_375 = tpu.memref_slice %arg7[%dma_wait3A_373, %dma_wait3A_374] : memref<4x80xi32, #tpu.memory_space<vmem>> -> memref<1x80xi32, #tpu.memory_space<vmem>>
          %dma_wait3A_376 = tpu.memref_squeeze %dma_wait3A_375 : memref<1x80xi32, #tpu.memory_space<vmem>> -> memref<80xi32, #tpu.memory_space<vmem>>
          %dma_wait3A_377 = arith.constant 0 : i32
          %dma_wait3A_378 = tpu.memref_slice %arg15[%dma_wait3A_377] : memref<10240xf32, #tpu.memory_space<vmem_shared>> -> memref<10240xf32, #tpu.memory_space<vmem_shared>>
          tpu.wait_indirect_dma semaphore(%arg24 : memref<!tpu.dma_semaphore, #tpu.memory_space<semaphore_mem>>) src(%arg12 : memref<80xf32, #tpu.memory_space<vmem>>) dst(%dma_wait3A_378 : memref<10240xf32, #tpu.memory_space<vmem_shared>>)
        } else {
        }
        %add3A_341 = arith.constant 2 : i32
        %add3A_342 = arith.addi %add3A_264, %add3A_341 : i32
        %mul3A_343 = arith.constant 80 : i32
        %mul3A_344 = arith.muli %add3A_342, %mul3A_343 : i32
        %add3A_345 = arith.addi %mul3A_27, %mul3A_344 : i32
        %dma_start3A_346 = arith.constant 0 : i32
        %dma_start3A_347 = arith.constant 0 : i32
        %dma_start3A_348 = tpu.memref_slice %arg6[%dma_start3A_346, %dma_start3A_347] : memref<4x80xi32, #tpu.memory_space<vmem>> -> memref<1x80xi32, #tpu.memory_space<vmem>>
        %dma_start3A_349 = tpu.memref_squeeze %dma_start3A_348 : memref<1x80xi32, #tpu.memory_space<vmem>> -> memref<80xi32, #tpu.memory_space<vmem>>
        %dma_start3A_350 = tpu.memref_slice %arg3[%add3A_345] : memref<640000xi32, #tpu.memory_space<hbm>> -> memref<80xi32, #tpu.memory_space<hbm>>
        %dma_start3A_351 = arith.constant 0 : i32
        %dma_start3A_352 = tpu.memref_slice %arg6[%dma_start3A_346, %dma_start3A_351] : memref<4x80xi32, #tpu.memory_space<vmem>> -> memref<1x80xi32, #tpu.memory_space<vmem>>
        %dma_start3A_353 = tpu.memref_squeeze %dma_start3A_352 : memref<1x80xi32, #tpu.memory_space<vmem>> -> memref<80xi32, #tpu.memory_space<vmem>>
        %dma_start3A_354 = tpu.memref_slice %arg3[%add3A_345] : memref<640000xi32, #tpu.memory_space<hbm>> -> memref<80xi32, #tpu.memory_space<hbm>>
        tpu.enqueue_dma source(%dma_start3A_354 : memref<80xi32, #tpu.memory_space<hbm>>) target(%dma_start3A_353 : memref<80xi32, #tpu.memory_space<vmem>>) target_semaphore(%arg16 : memref<!tpu.dma_semaphore, #tpu.memory_space<semaphore_mem>>)
        %add3A_355 = arith.constant 320000 : i32
        %add3A_356 = arith.addi %add3A_355, %add3A_345 : i32
        %dma_start3A_357 = arith.constant 0 : i32
        %dma_start3A_358 = arith.constant 0 : i32
        %dma_start3A_359 = tpu.memref_slice %arg7[%dma_start3A_357, %dma_start3A_358] : memref<4x80xi32, #tpu.memory_space<vmem>> -> memref<1x80xi32, #tpu.memory_space<vmem>>
        %dma_start3A_360 = tpu.memref_squeeze %dma_start3A_359 : memref<1x80xi32, #tpu.memory_space<vmem>> -> memref<80xi32, #tpu.memory_space<vmem>>
        %dma_start3A_361 = tpu.memref_slice %arg3[%add3A_356] : memref<640000xi32, #tpu.memory_space<hbm>> -> memref<80xi32, #tpu.memory_space<hbm>>
        %dma_start3A_362 = arith.constant 0 : i32
        %dma_start3A_363 = tpu.memref_slice %arg7[%dma_start3A_357, %dma_start3A_362] : memref<4x80xi32, #tpu.memory_space<vmem>> -> memref<1x80xi32, #tpu.memory_space<vmem>>
        %dma_start3A_364 = tpu.memref_squeeze %dma_start3A_363 : memref<1x80xi32, #tpu.memory_space<vmem>> -> memref<80xi32, #tpu.memory_space<vmem>>
        %dma_start3A_365 = tpu.memref_slice %arg3[%add3A_356] : memref<640000xi32, #tpu.memory_space<hbm>> -> memref<80xi32, #tpu.memory_space<hbm>>
        tpu.enqueue_dma source(%dma_start3A_365 : memref<80xi32, #tpu.memory_space<hbm>>) target(%dma_start3A_364 : memref<80xi32, #tpu.memory_space<vmem>>) target_semaphore(%arg16 : memref<!tpu.dma_semaphore, #tpu.memory_space<semaphore_mem>>)
      } else {
      }
      %add3A_272 = arith.constant 1 : i32
      %add3A_273 = arith.addi %add3A_264, %add3A_272 : i32
      %lt3A_274 = arith.constant 125 : i32
      %lt3A_275 = arith.cmpi slt, %add3A_273, %lt3A_274 : i32
      %convert_element_type3A_276 = arith.extui %lt3A_275 : i1 to i32
      %cond3A_277 = arith.constant 0 : i32
      %cond3A_278 = arith.cmpi ne, %convert_element_type3A_276, %cond3A_277 : i32
      scf.if %cond3A_278 {
        %add3A_337 = arith.constant 1 : i32
        %add3A_338 = arith.addi %add3A_264, %add3A_337 : i32
        %mul3A_339 = arith.constant 80 : i32
        %mul3A_340 = arith.muli %add3A_338, %mul3A_339 : i32
        %add3A_341 = arith.addi %mul3A_27, %mul3A_340 : i32
        %dma_wait3A_342 = arith.constant 3 : i32
        %dma_wait3A_343 = arith.constant 0 : i32
        %dma_wait3A_344 = tpu.memref_slice %arg6[%dma_wait3A_342, %dma_wait3A_343] : memref<4x80xi32, #tpu.memory_space<vmem>> -> memref<1x80xi32, #tpu.memory_space<vmem>>
        %dma_wait3A_345 = tpu.memref_squeeze %dma_wait3A_344 : memref<1x80xi32, #tpu.memory_space<vmem>> -> memref<80xi32, #tpu.memory_space<vmem>>
        %dma_wait3A_346 = tpu.memref_slice %arg3[%add3A_341] : memref<640000xi32, #tpu.memory_space<hbm>> -> memref<80xi32, #tpu.memory_space<hbm>>
        %dma_wait3A_347 = arith.constant 0 : i32
        %dma_wait3A_348 = tpu.memref_slice %arg6[%dma_wait3A_342, %dma_wait3A_347] : memref<4x80xi32, #tpu.memory_space<vmem>> -> memref<1x80xi32, #tpu.memory_space<vmem>>
        %dma_wait3A_349 = tpu.memref_squeeze %dma_wait3A_348 : memref<1x80xi32, #tpu.memory_space<vmem>> -> memref<80xi32, #tpu.memory_space<vmem>>
        %dma_wait3A_350 = tpu.memref_slice %arg3[%add3A_341] : memref<640000xi32, #tpu.memory_space<hbm>> -> memref<80xi32, #tpu.memory_space<hbm>>
        tpu.wait_dma2 semaphore(%arg19 : memref<!tpu.dma_semaphore, #tpu.memory_space<semaphore_mem>>) src(%dma_wait3A_350 : memref<80xi32, #tpu.memory_space<hbm>>) dst(%dma_wait3A_349 : memref<80xi32, #tpu.memory_space<vmem>>)
        %add3A_351 = arith.constant 320000 : i32
        %add3A_352 = arith.addi %add3A_351, %add3A_341 : i32
        %dma_wait3A_353 = arith.constant 3 : i32
        %dma_wait3A_354 = arith.constant 0 : i32
        %dma_wait3A_355 = tpu.memref_slice %arg7[%dma_wait3A_353, %dma_wait3A_354] : memref<4x80xi32, #tpu.memory_space<vmem>> -> memref<1x80xi32, #tpu.memory_space<vmem>>
        %dma_wait3A_356 = tpu.memref_squeeze %dma_wait3A_355 : memref<1x80xi32, #tpu.memory_space<vmem>> -> memref<80xi32, #tpu.memory_space<vmem>>
        %dma_wait3A_357 = tpu.memref_slice %arg3[%add3A_352] : memref<640000xi32, #tpu.memory_space<hbm>> -> memref<80xi32, #tpu.memory_space<hbm>>
        %dma_wait3A_358 = arith.constant 0 : i32
        %dma_wait3A_359 = tpu.memref_slice %arg7[%dma_wait3A_353, %dma_wait3A_358] : memref<4x80xi32, #tpu.memory_space<vmem>> -> memref<1x80xi32, #tpu.memory_space<vmem>>
        %dma_wait3A_360 = tpu.memref_squeeze %dma_wait3A_359 : memref<1x80xi32, #tpu.memory_space<vmem>> -> memref<80xi32, #tpu.memory_space<vmem>>
        %dma_wait3A_361 = tpu.memref_slice %arg3[%add3A_352] : memref<640000xi32, #tpu.memory_space<hbm>> -> memref<80xi32, #tpu.memory_space<hbm>>
        tpu.wait_dma2 semaphore(%arg19 : memref<!tpu.dma_semaphore, #tpu.memory_space<semaphore_mem>>) src(%dma_wait3A_361 : memref<80xi32, #tpu.memory_space<hbm>>) dst(%dma_wait3A_360 : memref<80xi32, #tpu.memory_space<vmem>>)
        %dma_start3A_362 = arith.constant 3 : i32
        %dma_start3A_363 = arith.constant 0 : i32
        %dma_start3A_364 = tpu.memref_slice %arg6[%dma_start3A_362, %dma_start3A_363] : memref<4x80xi32, #tpu.memory_space<vmem>> -> memref<1x80xi32, #tpu.memory_space<vmem>>
        %dma_start3A_365 = tpu.memref_squeeze %dma_start3A_364 : memref<1x80xi32, #tpu.memory_space<vmem>> -> memref<80xi32, #tpu.memory_space<vmem>>
        %dma_start3A_366 = arith.constant 0 : i32
        %dma_start3A_367 = arith.constant 0 : i32
        %dma_start3A_368 = tpu.memref_slice %arg2[%dma_start3A_366, %dma_start3A_367] : memref<10000x128xf32, #tpu.memory_space<hbm>> -> memref<10000x128xf32, #tpu.memory_space<hbm>>
        tpu.enqueue_indirect_dma source(%dma_start3A_368 : memref<10000x128xf32, #tpu.memory_space<hbm>>) target(%arg11 : memref<80x128xf32, #tpu.memory_space<vmem>>) offsets(%dma_start3A_365 : memref<80xi32, #tpu.memory_space<vmem>>) semaphore(%arg23 : memref<!tpu.dma_semaphore, #tpu.memory_space<semaphore_mem>>)
      } else {
      }
      %dma_wait3A_279 = arith.constant 2 : i32
      %dma_wait3A_280 = arith.constant 0 : i32
      %dma_wait3A_281 = tpu.memref_slice %arg6[%dma_wait3A_279, %dma_wait3A_280] : memref<4x80xi32, #tpu.memory_space<vmem>> -> memref<1x80xi32, #tpu.memory_space<vmem>>
      %dma_wait3A_282 = tpu.memref_squeeze %dma_wait3A_281 : memref<1x80xi32, #tpu.memory_space<vmem>> -> memref<80xi32, #tpu.memory_space<vmem>>
      %dma_wait3A_283 = arith.constant 0 : i32
      %dma_wait3A_284 = arith.constant 0 : i32
      %dma_wait3A_285 = tpu.memref_slice %arg2[%dma_wait3A_283, %dma_wait3A_284] : memref<10000x128xf32, #tpu.memory_space<hbm>> -> memref<10000x128xf32, #tpu.memory_space<hbm>>
      tpu.wait_indirect_dma semaphore(%arg22 : memref<!tpu.dma_semaphore, #tpu.memory_space<semaphore_mem>>) src(%dma_wait3A_285 : memref<10000x128xf32, #tpu.memory_space<hbm>>) dst(%arg10 : memref<80x128xf32, #tpu.memory_space<vmem>>)
      %dma_start3A_286 = arith.constant 2 : i32
      %dma_start3A_287 = arith.constant 0 : i32
      %dma_start3A_288 = tpu.memref_slice %arg7[%dma_start3A_286, %dma_start3A_287] : memref<4x80xi32, #tpu.memory_space<vmem>> -> memref<1x80xi32, #tpu.memory_space<vmem>>
      %dma_start3A_289 = tpu.memref_squeeze %dma_start3A_288 : memref<1x80xi32, #tpu.memory_space<vmem>> -> memref<80xi32, #tpu.memory_space<vmem>>
      %dma_start3A_290 = arith.constant 0 : i32
      %dma_start3A_291 = arith.constant 0 : i32
      %dma_start3A_292 = tpu.memref_slice %arg14[%dma_start3A_290, %dma_start3A_291] : memref<10240x128xf32, #tpu.memory_space<vmem_shared>> -> memref<10240x128xf32, #tpu.memory_space<vmem_shared>>
      tpu.enqueue_indirect_dma source(%arg10 : memref<80x128xf32, #tpu.memory_space<vmem>>) target(%dma_start3A_292 : memref<10240x128xf32, #tpu.memory_space<vmem_shared>>) offsets(%dma_start3A_289 : memref<80xi32, #tpu.memory_space<vmem>>) semaphore(%arg26 : memref<!tpu.dma_semaphore, #tpu.memory_space<semaphore_mem>>) {add = true}
      %dma_start3A_293 = arith.constant 2 : i32
      %dma_start3A_294 = arith.constant 0 : i32
      %dma_start3A_295 = tpu.memref_slice %arg7[%dma_start3A_293, %dma_start3A_294] : memref<4x80xi32, #tpu.memory_space<vmem>> -> memref<1x80xi32, #tpu.memory_space<vmem>>
      %dma_start3A_296 = tpu.memref_squeeze %dma_start3A_295 : memref<1x80xi32, #tpu.memory_space<vmem>> -> memref<80xi32, #tpu.memory_space<vmem>>
      %dma_start3A_297 = arith.constant 0 : i32
      %dma_start3A_298 = tpu.memref_slice %arg15[%dma_start3A_297] : memref<10240xf32, #tpu.memory_space<vmem_shared>> -> memref<10240xf32, #tpu.memory_space<vmem_shared>>
      tpu.enqueue_indirect_dma source(%arg12 : memref<80xf32, #tpu.memory_space<vmem>>) target(%dma_start3A_298 : memref<10240xf32, #tpu.memory_space<vmem_shared>>) offsets(%dma_start3A_296 : memref<80xi32, #tpu.memory_space<vmem>>) semaphore(%arg26 : memref<!tpu.dma_semaphore, #tpu.memory_space<semaphore_mem>>) {add = true}
      %mul3A_299 = arith.constant 4 : i32
      %mul3A_300 = arith.muli %scan3A_187, %mul3A_299 : i32
      %add3A_301 = arith.constant 3 : i32
      %add3A_302 = arith.addi %mul3A_300, %add3A_301 : i32
      %add3A_303 = arith.constant 2 : i32
      %add3A_304 = arith.addi %add3A_302, %add3A_303 : i32
      %lt3A_305 = arith.constant 125 : i32
      %lt3A_306 = arith.cmpi slt, %add3A_304, %lt3A_305 : i32
      %convert_element_type3A_307 = arith.extui %lt3A_306 : i1 to i32
      %cond3A_308 = arith.constant 0 : i32
      %cond3A_309 = arith.cmpi ne, %convert_element_type3A_307, %cond3A_308 : i32
      scf.if %cond3A_309 {
        %ge3A = arith.constant 2 : i32
        %ge3A_337 = arith.cmpi sge, %add3A_302, %ge3A : i32
        %convert_element_type3A_338 = arith.extui %ge3A_337 : i1 to i32
        %cond3A_339 = arith.constant 0 : i32
        %cond3A_340 = arith.cmpi ne, %convert_element_type3A_338, %cond3A_339 : i32
        scf.if %cond3A_340 {
          %dma_wait3A_366 = arith.constant 1 : i32
          %dma_wait3A_367 = arith.constant 0 : i32
          %dma_wait3A_368 = tpu.memref_slice %arg7[%dma_wait3A_366, %dma_wait3A_367] : memref<4x80xi32, #tpu.memory_space<vmem>> -> memref<1x80xi32, #tpu.memory_space<vmem>>
          %dma_wait3A_369 = tpu.memref_squeeze %dma_wait3A_368 : memref<1x80xi32, #tpu.memory_space<vmem>> -> memref<80xi32, #tpu.memory_space<vmem>>
          %dma_wait3A_370 = arith.constant 0 : i32
          %dma_wait3A_371 = arith.constant 0 : i32
          %dma_wait3A_372 = tpu.memref_slice %arg14[%dma_wait3A_370, %dma_wait3A_371] : memref<10240x128xf32, #tpu.memory_space<vmem_shared>> -> memref<10240x128xf32, #tpu.memory_space<vmem_shared>>
          tpu.wait_indirect_dma semaphore(%arg25 : memref<!tpu.dma_semaphore, #tpu.memory_space<semaphore_mem>>) src(%arg9 : memref<80x128xf32, #tpu.memory_space<vmem>>) dst(%dma_wait3A_372 : memref<10240x128xf32, #tpu.memory_space<vmem_shared>>)
          %dma_wait3A_373 = arith.constant 1 : i32
          %dma_wait3A_374 = arith.constant 0 : i32
          %dma_wait3A_375 = tpu.memref_slice %arg7[%dma_wait3A_373, %dma_wait3A_374] : memref<4x80xi32, #tpu.memory_space<vmem>> -> memref<1x80xi32, #tpu.memory_space<vmem>>
          %dma_wait3A_376 = tpu.memref_squeeze %dma_wait3A_375 : memref<1x80xi32, #tpu.memory_space<vmem>> -> memref<80xi32, #tpu.memory_space<vmem>>
          %dma_wait3A_377 = arith.constant 0 : i32
          %dma_wait3A_378 = tpu.memref_slice %arg15[%dma_wait3A_377] : memref<10240xf32, #tpu.memory_space<vmem_shared>> -> memref<10240xf32, #tpu.memory_space<vmem_shared>>
          tpu.wait_indirect_dma semaphore(%arg25 : memref<!tpu.dma_semaphore, #tpu.memory_space<semaphore_mem>>) src(%arg12 : memref<80xf32, #tpu.memory_space<vmem>>) dst(%dma_wait3A_378 : memref<10240xf32, #tpu.memory_space<vmem_shared>>)
        } else {
        }
        %add3A_341 = arith.constant 2 : i32
        %add3A_342 = arith.addi %add3A_302, %add3A_341 : i32
        %mul3A_343 = arith.constant 80 : i32
        %mul3A_344 = arith.muli %add3A_342, %mul3A_343 : i32
        %add3A_345 = arith.addi %mul3A_27, %mul3A_344 : i32
        %dma_start3A_346 = arith.constant 1 : i32
        %dma_start3A_347 = arith.constant 0 : i32
        %dma_start3A_348 = tpu.memref_slice %arg6[%dma_start3A_346, %dma_start3A_347] : memref<4x80xi32, #tpu.memory_space<vmem>> -> memref<1x80xi32, #tpu.memory_space<vmem>>
        %dma_start3A_349 = tpu.memref_squeeze %dma_start3A_348 : memref<1x80xi32, #tpu.memory_space<vmem>> -> memref<80xi32, #tpu.memory_space<vmem>>
        %dma_start3A_350 = tpu.memref_slice %arg3[%add3A_345] : memref<640000xi32, #tpu.memory_space<hbm>> -> memref<80xi32, #tpu.memory_space<hbm>>
        %dma_start3A_351 = arith.constant 0 : i32
        %dma_start3A_352 = tpu.memref_slice %arg6[%dma_start3A_346, %dma_start3A_351] : memref<4x80xi32, #tpu.memory_space<vmem>> -> memref<1x80xi32, #tpu.memory_space<vmem>>
        %dma_start3A_353 = tpu.memref_squeeze %dma_start3A_352 : memref<1x80xi32, #tpu.memory_space<vmem>> -> memref<80xi32, #tpu.memory_space<vmem>>
        %dma_start3A_354 = tpu.memref_slice %arg3[%add3A_345] : memref<640000xi32, #tpu.memory_space<hbm>> -> memref<80xi32, #tpu.memory_space<hbm>>
        tpu.enqueue_dma source(%dma_start3A_354 : memref<80xi32, #tpu.memory_space<hbm>>) target(%dma_start3A_353 : memref<80xi32, #tpu.memory_space<vmem>>) target_semaphore(%arg17 : memref<!tpu.dma_semaphore, #tpu.memory_space<semaphore_mem>>)
        %add3A_355 = arith.constant 320000 : i32
        %add3A_356 = arith.addi %add3A_355, %add3A_345 : i32
        %dma_start3A_357 = arith.constant 1 : i32
        %dma_start3A_358 = arith.constant 0 : i32
        %dma_start3A_359 = tpu.memref_slice %arg7[%dma_start3A_357, %dma_start3A_358] : memref<4x80xi32, #tpu.memory_space<vmem>> -> memref<1x80xi32, #tpu.memory_space<vmem>>
        %dma_start3A_360 = tpu.memref_squeeze %dma_start3A_359 : memref<1x80xi32, #tpu.memory_space<vmem>> -> memref<80xi32, #tpu.memory_space<vmem>>
        %dma_start3A_361 = tpu.memref_slice %arg3[%add3A_356] : memref<640000xi32, #tpu.memory_space<hbm>> -> memref<80xi32, #tpu.memory_space<hbm>>
        %dma_start3A_362 = arith.constant 0 : i32
        %dma_start3A_363 = tpu.memref_slice %arg7[%dma_start3A_357, %dma_start3A_362] : memref<4x80xi32, #tpu.memory_space<vmem>> -> memref<1x80xi32, #tpu.memory_space<vmem>>
        %dma_start3A_364 = tpu.memref_squeeze %dma_start3A_363 : memref<1x80xi32, #tpu.memory_space<vmem>> -> memref<80xi32, #tpu.memory_space<vmem>>
        %dma_start3A_365 = tpu.memref_slice %arg3[%add3A_356] : memref<640000xi32, #tpu.memory_space<hbm>> -> memref<80xi32, #tpu.memory_space<hbm>>
        tpu.enqueue_dma source(%dma_start3A_365 : memref<80xi32, #tpu.memory_space<hbm>>) target(%dma_start3A_364 : memref<80xi32, #tpu.memory_space<vmem>>) target_semaphore(%arg17 : memref<!tpu.dma_semaphore, #tpu.memory_space<semaphore_mem>>)
      } else {
      }
      %add3A_310 = arith.constant 1 : i32
      %add3A_311 = arith.addi %add3A_302, %add3A_310 : i32
      %lt3A_312 = arith.constant 125 : i32
      %lt3A_313 = arith.cmpi slt, %add3A_311, %lt3A_312 : i32
      %convert_element_type3A_314 = arith.extui %lt3A_313 : i1 to i32
      %cond3A_315 = arith.constant 0 : i32
      %cond3A_316 = arith.cmpi ne, %convert_element_type3A_314, %cond3A_315 : i32
      scf.if %cond3A_316 {
        %add3A_337 = arith.constant 1 : i32
        %add3A_338 = arith.addi %add3A_302, %add3A_337 : i32
        %mul3A_339 = arith.constant 80 : i32
        %mul3A_340 = arith.muli %add3A_338, %mul3A_339 : i32
        %add3A_341 = arith.addi %mul3A_27, %mul3A_340 : i32
        %dma_wait3A_342 = arith.constant 0 : i32
        %dma_wait3A_343 = arith.constant 0 : i32
        %dma_wait3A_344 = tpu.memref_slice %arg6[%dma_wait3A_342, %dma_wait3A_343] : memref<4x80xi32, #tpu.memory_space<vmem>> -> memref<1x80xi32, #tpu.memory_space<vmem>>
        %dma_wait3A_345 = tpu.memref_squeeze %dma_wait3A_344 : memref<1x80xi32, #tpu.memory_space<vmem>> -> memref<80xi32, #tpu.memory_space<vmem>>
        %dma_wait3A_346 = tpu.memref_slice %arg3[%add3A_341] : memref<640000xi32, #tpu.memory_space<hbm>> -> memref<80xi32, #tpu.memory_space<hbm>>
        %dma_wait3A_347 = arith.constant 0 : i32
        %dma_wait3A_348 = tpu.memref_slice %arg6[%dma_wait3A_342, %dma_wait3A_347] : memref<4x80xi32, #tpu.memory_space<vmem>> -> memref<1x80xi32, #tpu.memory_space<vmem>>
        %dma_wait3A_349 = tpu.memref_squeeze %dma_wait3A_348 : memref<1x80xi32, #tpu.memory_space<vmem>> -> memref<80xi32, #tpu.memory_space<vmem>>
        %dma_wait3A_350 = tpu.memref_slice %arg3[%add3A_341] : memref<640000xi32, #tpu.memory_space<hbm>> -> memref<80xi32, #tpu.memory_space<hbm>>
        tpu.wait_dma2 semaphore(%arg16 : memref<!tpu.dma_semaphore, #tpu.memory_space<semaphore_mem>>) src(%dma_wait3A_350 : memref<80xi32, #tpu.memory_space<hbm>>) dst(%dma_wait3A_349 : memref<80xi32, #tpu.memory_space<vmem>>)
        %add3A_351 = arith.constant 320000 : i32
        %add3A_352 = arith.addi %add3A_351, %add3A_341 : i32
        %dma_wait3A_353 = arith.constant 0 : i32
        %dma_wait3A_354 = arith.constant 0 : i32
        %dma_wait3A_355 = tpu.memref_slice %arg7[%dma_wait3A_353, %dma_wait3A_354] : memref<4x80xi32, #tpu.memory_space<vmem>> -> memref<1x80xi32, #tpu.memory_space<vmem>>
        %dma_wait3A_356 = tpu.memref_squeeze %dma_wait3A_355 : memref<1x80xi32, #tpu.memory_space<vmem>> -> memref<80xi32, #tpu.memory_space<vmem>>
        %dma_wait3A_357 = tpu.memref_slice %arg3[%add3A_352] : memref<640000xi32, #tpu.memory_space<hbm>> -> memref<80xi32, #tpu.memory_space<hbm>>
        %dma_wait3A_358 = arith.constant 0 : i32
        %dma_wait3A_359 = tpu.memref_slice %arg7[%dma_wait3A_353, %dma_wait3A_358] : memref<4x80xi32, #tpu.memory_space<vmem>> -> memref<1x80xi32, #tpu.memory_space<vmem>>
        %dma_wait3A_360 = tpu.memref_squeeze %dma_wait3A_359 : memref<1x80xi32, #tpu.memory_space<vmem>> -> memref<80xi32, #tpu.memory_space<vmem>>
        %dma_wait3A_361 = tpu.memref_slice %arg3[%add3A_352] : memref<640000xi32, #tpu.memory_space<hbm>> -> memref<80xi32, #tpu.memory_space<hbm>>
        tpu.wait_dma2 semaphore(%arg16 : memref<!tpu.dma_semaphore, #tpu.memory_space<semaphore_mem>>) src(%dma_wait3A_361 : memref<80xi32, #tpu.memory_space<hbm>>) dst(%dma_wait3A_360 : memref<80xi32, #tpu.memory_space<vmem>>)
        %dma_start3A_362 = arith.constant 0 : i32
        %dma_start3A_363 = arith.constant 0 : i32
        %dma_start3A_364 = tpu.memref_slice %arg6[%dma_start3A_362, %dma_start3A_363] : memref<4x80xi32, #tpu.memory_space<vmem>> -> memref<1x80xi32, #tpu.memory_space<vmem>>
        %dma_start3A_365 = tpu.memref_squeeze %dma_start3A_364 : memref<1x80xi32, #tpu.memory_space<vmem>> -> memref<80xi32, #tpu.memory_space<vmem>>
        %dma_start3A_366 = arith.constant 0 : i32
        %dma_start3A_367 = arith.constant 0 : i32
        %dma_start3A_368 = tpu.memref_slice %arg2[%dma_start3A_366, %dma_start3A_367] : memref<10000x128xf32, #tpu.memory_space<hbm>> -> memref<10000x128xf32, #tpu.memory_space<hbm>>
        tpu.enqueue_indirect_dma source(%dma_start3A_368 : memref<10000x128xf32, #tpu.memory_space<hbm>>) target(%arg8 : memref<80x128xf32, #tpu.memory_space<vmem>>) offsets(%dma_start3A_365 : memref<80xi32, #tpu.memory_space<vmem>>) semaphore(%arg20 : memref<!tpu.dma_semaphore, #tpu.memory_space<semaphore_mem>>)
      } else {
      }
      %dma_wait3A_317 = arith.constant 3 : i32
      %dma_wait3A_318 = arith.constant 0 : i32
      %dma_wait3A_319 = tpu.memref_slice %arg6[%dma_wait3A_317, %dma_wait3A_318] : memref<4x80xi32, #tpu.memory_space<vmem>> -> memref<1x80xi32, #tpu.memory_space<vmem>>
      %dma_wait3A_320 = tpu.memref_squeeze %dma_wait3A_319 : memref<1x80xi32, #tpu.memory_space<vmem>> -> memref<80xi32, #tpu.memory_space<vmem>>
      %dma_wait3A_321 = arith.constant 0 : i32
      %dma_wait3A_322 = arith.constant 0 : i32
      %dma_wait3A_323 = tpu.memref_slice %arg2[%dma_wait3A_321, %dma_wait3A_322] : memref<10000x128xf32, #tpu.memory_space<hbm>> -> memref<10000x128xf32, #tpu.memory_space<hbm>>
      tpu.wait_indirect_dma semaphore(%arg23 : memref<!tpu.dma_semaphore, #tpu.memory_space<semaphore_mem>>) src(%dma_wait3A_323 : memref<10000x128xf32, #tpu.memory_space<hbm>>) dst(%arg11 : memref<80x128xf32, #tpu.memory_space<vmem>>)
      %dma_start3A_324 = arith.constant 3 : i32
      %dma_start3A_325 = arith.constant 0 : i32
      %dma_start3A_326 = tpu.memref_slice %arg7[%dma_start3A_324, %dma_start3A_325] : memref<4x80xi32, #tpu.memory_space<vmem>> -> memref<1x80xi32, #tpu.memory_space<vmem>>
      %dma_start3A_327 = tpu.memref_squeeze %dma_start3A_326 : memref<1x80xi32, #tpu.memory_space<vmem>> -> memref<80xi32, #tpu.memory_space<vmem>>
      %dma_start3A_328 = arith.constant 0 : i32
      %dma_start3A_329 = arith.constant 0 : i32
      %dma_start3A_330 = tpu.memref_slice %arg14[%dma_start3A_328, %dma_start3A_329] : memref<10240x128xf32, #tpu.memory_space<vmem_shared>> -> memref<10240x128xf32, #tpu.memory_space<vmem_shared>>
      tpu.enqueue_indirect_dma source(%arg11 : memref<80x128xf32, #tpu.memory_space<vmem>>) target(%dma_start3A_330 : memref<10240x128xf32, #tpu.memory_space<vmem_shared>>) offsets(%dma_start3A_327 : memref<80xi32, #tpu.memory_space<vmem>>) semaphore(%arg27 : memref<!tpu.dma_semaphore, #tpu.memory_space<semaphore_mem>>) {add = true}
      %dma_start3A_331 = arith.constant 3 : i32
      %dma_start3A_332 = arith.constant 0 : i32
      %dma_start3A_333 = tpu.memref_slice %arg7[%dma_start3A_331, %dma_start3A_332] : memref<4x80xi32, #tpu.memory_space<vmem>> -> memref<1x80xi32, #tpu.memory_space<vmem>>
      %dma_start3A_334 = tpu.memref_squeeze %dma_start3A_333 : memref<1x80xi32, #tpu.memory_space<vmem>> -> memref<80xi32, #tpu.memory_space<vmem>>
      %dma_start3A_335 = arith.constant 0 : i32
      %dma_start3A_336 = tpu.memref_slice %arg15[%dma_start3A_335] : memref<10240xf32, #tpu.memory_space<vmem_shared>> -> memref<10240xf32, #tpu.memory_space<vmem_shared>>
      tpu.enqueue_indirect_dma source(%arg12 : memref<80xf32, #tpu.memory_space<vmem>>) target(%dma_start3A_336 : memref<10240xf32, #tpu.memory_space<vmem_shared>>) offsets(%dma_start3A_334 : memref<80xi32, #tpu.memory_space<vmem>>) semaphore(%arg27 : memref<!tpu.dma_semaphore, #tpu.memory_space<semaphore_mem>>) {add = true}
    }
    %scan3A_104 = arith.constant 31 : i32
    %dma_wait3A_105 = arith.constant 0 : i32
    %dma_wait3A_106 = arith.constant 0 : i32
    %dma_wait3A_107 = tpu.memref_slice %arg6[%dma_wait3A_105, %dma_wait3A_106] : memref<4x80xi32, #tpu.memory_space<vmem>> -> memref<1x80xi32, #tpu.memory_space<vmem>>
    %dma_wait3A_108 = tpu.memref_squeeze %dma_wait3A_107 : memref<1x80xi32, #tpu.memory_space<vmem>> -> memref<80xi32, #tpu.memory_space<vmem>>
    %dma_wait3A_109 = arith.constant 0 : i32
    %dma_wait3A_110 = arith.constant 0 : i32
    %dma_wait3A_111 = tpu.memref_slice %arg2[%dma_wait3A_109, %dma_wait3A_110] : memref<10000x128xf32, #tpu.memory_space<hbm>> -> memref<10000x128xf32, #tpu.memory_space<hbm>>
    tpu.wait_indirect_dma semaphore(%arg20 : memref<!tpu.dma_semaphore, #tpu.memory_space<semaphore_mem>>) src(%dma_wait3A_111 : memref<10000x128xf32, #tpu.memory_space<hbm>>) dst(%arg8 : memref<80x128xf32, #tpu.memory_space<vmem>>)
    %dma_start3A_112 = arith.constant 0 : i32
    %dma_start3A_113 = arith.constant 0 : i32
    %dma_start3A_114 = tpu.memref_slice %arg7[%dma_start3A_112, %dma_start3A_113] : memref<4x80xi32, #tpu.memory_space<vmem>> -> memref<1x80xi32, #tpu.memory_space<vmem>>
    %dma_start3A_115 = tpu.memref_squeeze %dma_start3A_114 : memref<1x80xi32, #tpu.memory_space<vmem>> -> memref<80xi32, #tpu.memory_space<vmem>>
    %dma_start3A_116 = arith.constant 0 : i32
    %dma_start3A_117 = arith.constant 0 : i32
    %dma_start3A_118 = tpu.memref_slice %arg14[%dma_start3A_116, %dma_start3A_117] : memref<10240x128xf32, #tpu.memory_space<vmem_shared>> -> memref<10240x128xf32, #tpu.memory_space<vmem_shared>>
    tpu.enqueue_indirect_dma source(%arg8 : memref<80x128xf32, #tpu.memory_space<vmem>>) target(%dma_start3A_118 : memref<10240x128xf32, #tpu.memory_space<vmem_shared>>) offsets(%dma_start3A_115 : memref<80xi32, #tpu.memory_space<vmem>>) semaphore(%arg24 : memref<!tpu.dma_semaphore, #tpu.memory_space<semaphore_mem>>) {add = true}
    %dma_start3A_119 = arith.constant 0 : i32
    %dma_start3A_120 = arith.constant 0 : i32
    %dma_start3A_121 = tpu.memref_slice %arg7[%dma_start3A_119, %dma_start3A_120] : memref<4x80xi32, #tpu.memory_space<vmem>> -> memref<1x80xi32, #tpu.memory_space<vmem>>
    %dma_start3A_122 = tpu.memref_squeeze %dma_start3A_121 : memref<1x80xi32, #tpu.memory_space<vmem>> -> memref<80xi32, #tpu.memory_space<vmem>>
    %dma_start3A_123 = arith.constant 0 : i32
    %dma_start3A_124 = tpu.memref_slice %arg15[%dma_start3A_123] : memref<10240xf32, #tpu.memory_space<vmem_shared>> -> memref<10240xf32, #tpu.memory_space<vmem_shared>>
    tpu.enqueue_indirect_dma source(%arg12 : memref<80xf32, #tpu.memory_space<vmem>>) target(%dma_start3A_124 : memref<10240xf32, #tpu.memory_space<vmem_shared>>) offsets(%dma_start3A_122 : memref<80xi32, #tpu.memory_space<vmem>>) semaphore(%arg24 : memref<!tpu.dma_semaphore, #tpu.memory_space<semaphore_mem>>) {add = true}
    %dma_wait3A_125 = arith.constant 1 : i32
    %dma_wait3A_126 = arith.constant 0 : i32
    %dma_wait3A_127 = tpu.memref_slice %arg7[%dma_wait3A_125, %dma_wait3A_126] : memref<4x80xi32, #tpu.memory_space<vmem>> -> memref<1x80xi32, #tpu.memory_space<vmem>>
    %dma_wait3A_128 = tpu.memref_squeeze %dma_wait3A_127 : memref<1x80xi32, #tpu.memory_space<vmem>> -> memref<80xi32, #tpu.memory_space<vmem>>
    %dma_wait3A_129 = arith.constant 0 : i32
    %dma_wait3A_130 = arith.constant 0 : i32
    %dma_wait3A_131 = tpu.memref_slice %arg14[%dma_wait3A_129, %dma_wait3A_130] : memref<10240x128xf32, #tpu.memory_space<vmem_shared>> -> memref<10240x128xf32, #tpu.memory_space<vmem_shared>>
    tpu.wait_indirect_dma semaphore(%arg25 : memref<!tpu.dma_semaphore, #tpu.memory_space<semaphore_mem>>) src(%arg9 : memref<80x128xf32, #tpu.memory_space<vmem>>) dst(%dma_wait3A_131 : memref<10240x128xf32, #tpu.memory_space<vmem_shared>>)
    %dma_wait3A_132 = arith.constant 1 : i32
    %dma_wait3A_133 = arith.constant 0 : i32
    %dma_wait3A_134 = tpu.memref_slice %arg7[%dma_wait3A_132, %dma_wait3A_133] : memref<4x80xi32, #tpu.memory_space<vmem>> -> memref<1x80xi32, #tpu.memory_space<vmem>>
    %dma_wait3A_135 = tpu.memref_squeeze %dma_wait3A_134 : memref<1x80xi32, #tpu.memory_space<vmem>> -> memref<80xi32, #tpu.memory_space<vmem>>
    %dma_wait3A_136 = arith.constant 0 : i32
    %dma_wait3A_137 = tpu.memref_slice %arg15[%dma_wait3A_136] : memref<10240xf32, #tpu.memory_space<vmem_shared>> -> memref<10240xf32, #tpu.memory_space<vmem_shared>>
    tpu.wait_indirect_dma semaphore(%arg25 : memref<!tpu.dma_semaphore, #tpu.memory_space<semaphore_mem>>) src(%arg12 : memref<80xf32, #tpu.memory_space<vmem>>) dst(%dma_wait3A_137 : memref<10240xf32, #tpu.memory_space<vmem_shared>>)
    %dma_wait3A_138 = arith.constant 2 : i32
    %dma_wait3A_139 = arith.constant 0 : i32
    %dma_wait3A_140 = tpu.memref_slice %arg7[%dma_wait3A_138, %dma_wait3A_139] : memref<4x80xi32, #tpu.memory_space<vmem>> -> memref<1x80xi32, #tpu.memory_space<vmem>>
    %dma_wait3A_141 = tpu.memref_squeeze %dma_wait3A_140 : memref<1x80xi32, #tpu.memory_space<vmem>> -> memref<80xi32, #tpu.memory_space<vmem>>
    %dma_wait3A_142 = arith.constant 0 : i32
    %dma_wait3A_143 = arith.constant 0 : i32
    %dma_wait3A_144 = tpu.memref_slice %arg14[%dma_wait3A_142, %dma_wait3A_143] : memref<10240x128xf32, #tpu.memory_space<vmem_shared>> -> memref<10240x128xf32, #tpu.memory_space<vmem_shared>>
    tpu.wait_indirect_dma semaphore(%arg26 : memref<!tpu.dma_semaphore, #tpu.memory_space<semaphore_mem>>) src(%arg10 : memref<80x128xf32, #tpu.memory_space<vmem>>) dst(%dma_wait3A_144 : memref<10240x128xf32, #tpu.memory_space<vmem_shared>>)
    %dma_wait3A_145 = arith.constant 2 : i32
    %dma_wait3A_146 = arith.constant 0 : i32
    %dma_wait3A_147 = tpu.memref_slice %arg7[%dma_wait3A_145, %dma_wait3A_146] : memref<4x80xi32, #tpu.memory_space<vmem>> -> memref<1x80xi32, #tpu.memory_space<vmem>>
    %dma_wait3A_148 = tpu.memref_squeeze %dma_wait3A_147 : memref<1x80xi32, #tpu.memory_space<vmem>> -> memref<80xi32, #tpu.memory_space<vmem>>
    %dma_wait3A_149 = arith.constant 0 : i32
    %dma_wait3A_150 = tpu.memref_slice %arg15[%dma_wait3A_149] : memref<10240xf32, #tpu.memory_space<vmem_shared>> -> memref<10240xf32, #tpu.memory_space<vmem_shared>>
    tpu.wait_indirect_dma semaphore(%arg26 : memref<!tpu.dma_semaphore, #tpu.memory_space<semaphore_mem>>) src(%arg12 : memref<80xf32, #tpu.memory_space<vmem>>) dst(%dma_wait3A_150 : memref<10240xf32, #tpu.memory_space<vmem_shared>>)
    %dma_wait3A_151 = arith.constant 3 : i32
    %dma_wait3A_152 = arith.constant 0 : i32
    %dma_wait3A_153 = tpu.memref_slice %arg7[%dma_wait3A_151, %dma_wait3A_152] : memref<4x80xi32, #tpu.memory_space<vmem>> -> memref<1x80xi32, #tpu.memory_space<vmem>>
    %dma_wait3A_154 = tpu.memref_squeeze %dma_wait3A_153 : memref<1x80xi32, #tpu.memory_space<vmem>> -> memref<80xi32, #tpu.memory_space<vmem>>
    %dma_wait3A_155 = arith.constant 0 : i32
    %dma_wait3A_156 = arith.constant 0 : i32
    %dma_wait3A_157 = tpu.memref_slice %arg14[%dma_wait3A_155, %dma_wait3A_156] : memref<10240x128xf32, #tpu.memory_space<vmem_shared>> -> memref<10240x128xf32, #tpu.memory_space<vmem_shared>>
    tpu.wait_indirect_dma semaphore(%arg27 : memref<!tpu.dma_semaphore, #tpu.memory_space<semaphore_mem>>) src(%arg11 : memref<80x128xf32, #tpu.memory_space<vmem>>) dst(%dma_wait3A_157 : memref<10240x128xf32, #tpu.memory_space<vmem_shared>>)
    %dma_wait3A_158 = arith.constant 3 : i32
    %dma_wait3A_159 = arith.constant 0 : i32
    %dma_wait3A_160 = tpu.memref_slice %arg7[%dma_wait3A_158, %dma_wait3A_159] : memref<4x80xi32, #tpu.memory_space<vmem>> -> memref<1x80xi32, #tpu.memory_space<vmem>>
    %dma_wait3A_161 = tpu.memref_squeeze %dma_wait3A_160 : memref<1x80xi32, #tpu.memory_space<vmem>> -> memref<80xi32, #tpu.memory_space<vmem>>
    %dma_wait3A_162 = arith.constant 0 : i32
    %dma_wait3A_163 = tpu.memref_slice %arg15[%dma_wait3A_162] : memref<10240xf32, #tpu.memory_space<vmem_shared>> -> memref<10240xf32, #tpu.memory_space<vmem_shared>>
    tpu.wait_indirect_dma semaphore(%arg27 : memref<!tpu.dma_semaphore, #tpu.memory_space<semaphore_mem>>) src(%arg12 : memref<80xf32, #tpu.memory_space<vmem>>) dst(%dma_wait3A_163 : memref<10240xf32, #tpu.memory_space<vmem_shared>>)
    %dma_wait3A_164 = arith.constant 0 : i32
    %dma_wait3A_165 = arith.constant 0 : i32
    %dma_wait3A_166 = tpu.memref_slice %arg7[%dma_wait3A_164, %dma_wait3A_165] : memref<4x80xi32, #tpu.memory_space<vmem>> -> memref<1x80xi32, #tpu.memory_space<vmem>>
    %dma_wait3A_167 = tpu.memref_squeeze %dma_wait3A_166 : memref<1x80xi32, #tpu.memory_space<vmem>> -> memref<80xi32, #tpu.memory_space<vmem>>
    %dma_wait3A_168 = arith.constant 0 : i32
    %dma_wait3A_169 = arith.constant 0 : i32
    %dma_wait3A_170 = tpu.memref_slice %arg14[%dma_wait3A_168, %dma_wait3A_169] : memref<10240x128xf32, #tpu.memory_space<vmem_shared>> -> memref<10240x128xf32, #tpu.memory_space<vmem_shared>>
    tpu.wait_indirect_dma semaphore(%arg24 : memref<!tpu.dma_semaphore, #tpu.memory_space<semaphore_mem>>) src(%arg8 : memref<80x128xf32, #tpu.memory_space<vmem>>) dst(%dma_wait3A_170 : memref<10240x128xf32, #tpu.memory_space<vmem_shared>>)
    %dma_wait3A_171 = arith.constant 0 : i32
    %dma_wait3A_172 = arith.constant 0 : i32
    %dma_wait3A_173 = tpu.memref_slice %arg7[%dma_wait3A_171, %dma_wait3A_172] : memref<4x80xi32, #tpu.memory_space<vmem>> -> memref<1x80xi32, #tpu.memory_space<vmem>>
    %dma_wait3A_174 = tpu.memref_squeeze %dma_wait3A_173 : memref<1x80xi32, #tpu.memory_space<vmem>> -> memref<80xi32, #tpu.memory_space<vmem>>
    %dma_wait3A_175 = arith.constant 0 : i32
    %dma_wait3A_176 = tpu.memref_slice %arg15[%dma_wait3A_175] : memref<10240xf32, #tpu.memory_space<vmem_shared>> -> memref<10240xf32, #tpu.memory_space<vmem_shared>>
    tpu.wait_indirect_dma semaphore(%arg24 : memref<!tpu.dma_semaphore, #tpu.memory_space<semaphore_mem>>) src(%arg12 : memref<80xf32, #tpu.memory_space<vmem>>) dst(%dma_wait3A_176 : memref<10240xf32, #tpu.memory_space<vmem_shared>>)
    %barrier3A_177 = arith.constant 0 : index
    tpu.barrier barrier_id(%barrier3A_177)
    %scan3A_178 = arith.constant 0 : i32
    %scan3A_179 = arith.constant 0 : i32
    %scan3A_180 = arith.constant 5 : i32
    %scan3A_181 = arith.addi %scan3A_179, %scan3A_180 : i32
    %scan3A_182 = arith.constant 1 : i32
    scf.for %scan3A_187 = %scan3A_179 to %scan3A_181 step %scan3A_182  : i32 {
      %mul3A_188 = arith.constant 128 : i32
      %mul3A_189 = arith.muli %scan3A_187, %mul3A_188 : i32
      %add3A_190 = arith.addi %multiple_of3A, %mul3A_189 : i32
      %multiple_of3A_191 = tpu.assume_multiple %add3A_190, 8 : i32
      "tpu.region"() ({
        %run_scoped3A = tpu.sem_alloc : memref<!tpu.dma_semaphore, #tpu.memory_space<semaphore_mem>>
        %dma_start3A_192 = arith.constant 0 : i32
        %dma_start3A_193 = tpu.memref_slice %arg4[%arg0, %multiple_of3A_191, %dma_start3A_192] : memref<2x10240x128xf32, #tpu.memory_space<hbm>> -> memref<1x128x128xf32, #tpu.memory_space<hbm>>
        %dma_start3A_194 = tpu.memref_squeeze %dma_start3A_193 : memref<1x128x128xf32, #tpu.memory_space<hbm>> -> memref<128x128xf32, #tpu.memory_space<hbm>>
        %dma_start3A_195 = arith.constant 0 : i32
        %dma_start3A_196 = tpu.memref_slice %arg14[%multiple_of3A_191, %dma_start3A_195] : memref<10240x128xf32, #tpu.memory_space<vmem_shared>> -> memref<128x128xf32, #tpu.memory_space<vmem_shared>>
        tpu.enqueue_dma source(%dma_start3A_196 : memref<128x128xf32, #tpu.memory_space<vmem_shared>>) target(%dma_start3A_194 : memref<128x128xf32, #tpu.memory_space<hbm>>) target_semaphore(%run_scoped3A : memref<!tpu.dma_semaphore, #tpu.memory_space<semaphore_mem>>)
        %dma_wait3A_197 = arith.constant 0 : i32
        %dma_wait3A_198 = tpu.memref_slice %arg4[%arg0, %multiple_of3A_191, %dma_wait3A_197] : memref<2x10240x128xf32, #tpu.memory_space<hbm>> -> memref<1x128x128xf32, #tpu.memory_space<hbm>>
        %dma_wait3A_199 = tpu.memref_squeeze %dma_wait3A_198 : memref<1x128x128xf32, #tpu.memory_space<hbm>> -> memref<128x128xf32, #tpu.memory_space<hbm>>
        %dma_wait3A_200 = arith.constant 0 : i32
        %dma_wait3A_201 = tpu.memref_slice %arg14[%multiple_of3A_191, %dma_wait3A_200] : memref<10240x128xf32, #tpu.memory_space<vmem_shared>> -> memref<128x128xf32, #tpu.memory_space<vmem_shared>>
        tpu.wait_dma2 semaphore(%run_scoped3A : memref<!tpu.dma_semaphore, #tpu.memory_space<semaphore_mem>>) src(%dma_wait3A_201 : memref<128x128xf32, #tpu.memory_space<vmem_shared>>) dst(%dma_wait3A_199 : memref<128x128xf32, #tpu.memory_space<hbm>>)
        tpu.yield
      }) : () -> ()
    }
    %scan3A_183 = arith.constant 5 : i32
    %mul3A_184 = arith.constant 10240 : i32
    %mul3A_185 = arith.muli %arg0, %mul3A_184 : i32
    %add3A_186 = arith.addi %mul3A_185, %multiple_of3A : i32
    "tpu.region"() ({
      %run_scoped3A = tpu.sem_alloc : memref<!tpu.dma_semaphore, #tpu.memory_space<semaphore_mem>>
      %dma_start3A_187 = tpu.memref_slice %arg5[%add3A_186] : memref<20480xf32, #tpu.memory_space<hbm>> -> memref<640xf32, #tpu.memory_space<hbm>>
      %dma_start3A_188 = tpu.memref_slice %arg15[%multiple_of3A] : memref<10240xf32, #tpu.memory_space<vmem_shared>> -> memref<640xf32, #tpu.memory_space<vmem_shared>>
      tpu.enqueue_dma source(%dma_start3A_188 : memref<640xf32, #tpu.memory_space<vmem_shared>>) target(%dma_start3A_187 : memref<640xf32, #tpu.memory_space<hbm>>) target_semaphore(%run_scoped3A : memref<!tpu.dma_semaphore, #tpu.memory_space<semaphore_mem>>)
      %dma_wait3A_189 = tpu.memref_slice %arg5[%add3A_186] : memref<20480xf32, #tpu.memory_space<hbm>> -> memref<640xf32, #tpu.memory_space<hbm>>
      %dma_wait3A_190 = tpu.memref_slice %arg15[%multiple_of3A] : memref<10240xf32, #tpu.memory_space<vmem_shared>> -> memref<640xf32, #tpu.memory_space<vmem_shared>>
      tpu.wait_dma2 semaphore(%run_scoped3A : memref<!tpu.dma_semaphore, #tpu.memory_space<semaphore_mem>>) src(%dma_wait3A_190 : memref<640xf32, #tpu.memory_space<vmem_shared>>) dst(%dma_wait3A_189 : memref<640xf32, #tpu.memory_space<hbm>>)
      tpu.yield
    }) : () -> ()
    return
  }
}

module attributes {stable_mosaic.version = 14 : i64} {
  func.func @body(%arg0: i32, %arg1: memref<256x128xf32, #tpu.memory_space<vmem>>, %arg2: memref<128x128xf32, #tpu.memory_space<vmem>>, %arg3: memref<1x128xf32, #tpu.memory_space<vmem>>, %arg4: memref<256x128xf32, #tpu.memory_space<vmem>>) attributes {dimension_semantics = [#tpu.dimension_semantics<arbitrary>], iteration_bounds = array<i64: 40>, scalar_prefetch = 0 : i64, scratch_operands = 0 : i64, tpu.core_type = #tpu.core_type<tc>, window_params = [{transform_indices = @transform_0, window_bounds = array<i64: 256, 128>}, {pipeline_mode = #tpu.pipeline_mode<synchronous>, transform_indices = @transform_1, window_bounds = array<i64: 128, 128>}, {pipeline_mode = #tpu.pipeline_mode<synchronous>, transform_indices = @transform_2, window_bounds = array<i64: 1, 128>}, {transform_indices = @transform_3, window_bounds = array<i64: 256, 128>}]} {
    %get3A = arith.constant 0 : index
    %get3A_0 = arith.constant 0 : index
    %get3A_1 = vector.load %arg1[%get3A, %get3A_0] : memref<256x128xf32, #tpu.memory_space<vmem>>, vector<256x128xf32>
    %get3A_2 = arith.constant 0 : index
    %get3A_3 = arith.constant 0 : index
    %get3A_4 = vector.load %arg2[%get3A_2, %get3A_3] : memref<128x128xf32, #tpu.memory_space<vmem>>, vector<128x128xf32>
    %dot_general3A = arith.constant dense<0.000000e+00> : vector<256x128xf32>
    %dot_general3A_5 = tpu.matmul %get3A_1, %get3A_4, %dot_general3A {dimension_numbers = #tpu.dot_dimension_numbers<[1], [0], [0], [1], [0, 0, 1, 1], [], []>, precision = #tpu.contract_precision<fp32>, transpose_lhs_hint = false} : vector<256x128xf32>, vector<128x128xf32>, vector<256x128xf32> -> vector<256x128xf32>
    %get3A_6 = arith.constant 0 : index
    %get3A_7 = arith.constant 0 : index
    %get3A_8 = vector.load %arg3[%get3A_6, %get3A_7] : memref<1x128xf32, #tpu.memory_space<vmem>>, vector<1x128xf32>
    %add3A = vector.broadcast %get3A_8 : vector<1x128xf32> to vector<256x128xf32>
    %add3A_9 = arith.addf %dot_general3A_5, %add3A : vector<256x128xf32>
    %swap3A = arith.constant 0 : index
    %swap3A_10 = arith.constant 0 : index
    %swap3A_11 = vector.load %arg4[%swap3A, %swap3A_10] : memref<256x128xf32, #tpu.memory_space<vmem>>, vector<256x128xf32>
    tpu.vector_store %arg4[%swap3A, %swap3A_10], %add3A_9 {strides = array<i32>} : memref<256x128xf32, #tpu.memory_space<vmem>>, vector<256x128xf32>,
    return
  }
  func.func @transform_0(%arg0: i32) -> (i32, i32) {
    %c0_i32 = arith.constant 0 : i32
    %c0_i32_0 = arith.constant 0 : i32
    return %arg0, %c0_i32 : i32, i32
  }
  func.func @transform_1(%arg0: i32) -> (i32, i32) {
    %c0_i32 = arith.constant 0 : i32
    %c0_i32_0 = arith.constant 0 : i32
    %c0_i32_1 = arith.constant 0 : i32
    return %c0_i32, %c0_i32_0 : i32, i32
  }
  func.func @transform_2(%arg0: i32) -> (i32, i32) {
    %c0_i32 = arith.constant 0 : i32
    %c0_i32_0 = arith.constant 0 : i32
    %c0_i32_1 = arith.constant 0 : i32
    return %c0_i32, %c0_i32_0 : i32, i32
  }
  func.func @transform_3(%arg0: i32) -> (i32, i32) {
    %c0_i32 = arith.constant 0 : i32
    %c0_i32_0 = arith.constant 0 : i32
    return %arg0, %c0_i32 : i32, i32
  }
}

module attributes {stable_mosaic.version = 14 : i64} {
  func.func @body(%arg0: i32, %arg1: memref<256x128xf32, #tpu.memory_space<vmem>>, %arg2: memref<2x256x128xf32, #tpu.memory_space<vmem>>, %arg3: memref<2x1x1x256xf32, #tpu.memory_space<vmem>>, %arg4: memref<128x128xf32, #tpu.memory_space<vmem>>, %arg5: memref<256x128xf32, #tpu.memory_space<vmem>>) attributes {dimension_semantics = [#tpu.dimension_semantics<arbitrary>], iteration_bounds = array<i64: 40>, scalar_prefetch = 0 : i64, scratch_operands = 0 : i64, tpu.core_type = #tpu.core_type<tc>, window_params = [{transform_indices = @transform_0, window_bounds = array<i64: 256, 128>}, {transform_indices = @transform_1, window_bounds = array<i64: 2, 256, 128>}, {transform_indices = @transform_2, window_bounds = array<i64: 2, 1, 1, 256>}, {pipeline_mode = #tpu.pipeline_mode<synchronous>, transform_indices = @transform_3, window_bounds = array<i64: 128, 128>}, {transform_indices = @transform_4, window_bounds = array<i64: 256, 128>}]} {
    %get3A = arith.constant 0 : index
    %get3A_0 = arith.constant 0 : index
    %get3A_1 = arith.constant 0 : index
    %get3A_2 = vector.load %arg2[%get3A, %get3A_0, %get3A_1] : memref<2x256x128xf32, #tpu.memory_space<vmem>>, vector<1x256x128xf32>
    %get3A_3 = vector.shape_cast %get3A_2 : vector<1x256x128xf32> to vector<256x128xf32>
    %get3A_4 = arith.constant 1 : index
    %get3A_5 = arith.constant 0 : index
    %get3A_6 = arith.constant 0 : index
    %get3A_7 = vector.load %arg2[%get3A_4, %get3A_5, %get3A_6] : memref<2x256x128xf32, #tpu.memory_space<vmem>>, vector<1x256x128xf32>
    %get3A_8 = vector.shape_cast %get3A_7 : vector<1x256x128xf32> to vector<256x128xf32>
    %add3A = arith.addf %get3A_3, %get3A_8 : vector<256x128xf32>
    %get3A_9 = arith.constant 0 : index
    %get3A_10 = arith.constant 0 : index
    %get3A_11 = arith.constant 0 : index
    %get3A_12 = arith.constant 0 : index
    %get3A_13 = vector.load %arg3[%get3A_9, %get3A_10, %get3A_11, %get3A_12] : memref<2x1x1x256xf32, #tpu.memory_space<vmem>>, vector<1x1x1x256xf32>
    %get3A_14 = vector.shape_cast %get3A_13 : vector<1x1x1x256xf32> to vector<1x256xf32>
    %get3A_15 = arith.constant 1 : index
    %get3A_16 = arith.constant 0 : index
    %get3A_17 = arith.constant 0 : index
    %get3A_18 = arith.constant 0 : index
    %get3A_19 = vector.load %arg3[%get3A_15, %get3A_16, %get3A_17, %get3A_18] : memref<2x1x1x256xf32, #tpu.memory_space<vmem>>, vector<1x1x1x256xf32>
    %get3A_20 = vector.shape_cast %get3A_19 : vector<1x1x1x256xf32> to vector<1x256xf32>
    %add3A_21 = arith.addf %get3A_14, %get3A_20 : vector<1x256xf32>
    %max3A = arith.constant 1.000000e+00 : f32
    %max3A_22 = vector.broadcast %max3A : f32 to vector<1x256xf32>
    %max3A_23 = arith.maximumf %add3A_21, %max3A_22 : vector<1x256xf32>
    %div3A = arith.constant 1.000000e+00 : f32
    %div3A_24 = vector.broadcast %div3A : f32 to vector<1x256xf32>
    %div3A_25 = arith.divf %div3A_24, %max3A_23 : vector<1x256xf32>
    %iota3A = tpu.iota {dimensions = array<i32: 0>} : vector<256x256xi32>
    %iota3A_26 = tpu.iota {dimensions = array<i32: 1>} : vector<256x256xi32>
    %eq3A = arith.cmpi eq, %iota3A, %iota3A_26 : vector<256x256xi32>
    %broadcast_in_dim3A = vector.shape_cast %div3A_25 : vector<1x256xf32> to vector<1x256xf32>
    %broadcast_in_dim3A_27 = vector.broadcast %broadcast_in_dim3A : vector<1x256xf32> to vector<256x256xf32>
    %jit3A = arith.constant 0.000000e+00 : f32
    %broadcast_in_dim3A_28 = vector.broadcast %jit3A : f32 to vector<256x256xf32>
    %select_n3A = arith.select %eq3A, %broadcast_in_dim3A_27, %broadcast_in_dim3A_28 : vector<256x256xi1>, vector<256x256xf32>
    %dot_general3A = arith.constant dense<0.000000e+00> : vector<256x128xf32>
    %dot_general3A_29 = tpu.matmul %select_n3A, %add3A, %dot_general3A {dimension_numbers = #tpu.dot_dimension_numbers<[1], [0], [0], [1], [0, 0, 1, 1], [], []>, precision = #tpu.contract_precision<fp32>, transpose_lhs_hint = false} : vector<256x256xf32>, vector<256x128xf32>, vector<256x128xf32> -> vector<256x128xf32>
    %get3A_30 = arith.constant 0 : index
    %get3A_31 = arith.constant 0 : index
    %get3A_32 = vector.load %arg1[%get3A_30, %get3A_31] : memref<256x128xf32, #tpu.memory_space<vmem>>, vector<256x128xf32>
    %get3A_33 = arith.constant 0 : index
    %get3A_34 = arith.constant 0 : index
    %get3A_35 = vector.load %arg4[%get3A_33, %get3A_34] : memref<128x128xf32, #tpu.memory_space<vmem>>, vector<128x128xf32>
    %dot_general3A_36 = arith.constant dense<0.000000e+00> : vector<256x128xf32>
    %dot_general3A_37 = tpu.matmul %dot_general3A_29, %get3A_35, %dot_general3A_36 {dimension_numbers = #tpu.dot_dimension_numbers<[1], [0], [0], [1], [0, 0, 1, 1], [], []>, precision = #tpu.contract_precision<fp32>, transpose_lhs_hint = false} : vector<256x128xf32>, vector<128x128xf32>, vector<256x128xf32> -> vector<256x128xf32>
    %add3A_38 = arith.addf %get3A_32, %dot_general3A_37 : vector<256x128xf32>
    %swap3A = arith.constant 0 : index
    %swap3A_39 = arith.constant 0 : index
    %swap3A_40 = vector.load %arg5[%swap3A, %swap3A_39] : memref<256x128xf32, #tpu.memory_space<vmem>>, vector<256x128xf32>
    tpu.vector_store %arg5[%swap3A, %swap3A_39], %add3A_38 {strides = array<i32>} : memref<256x128xf32, #tpu.memory_space<vmem>>, vector<256x128xf32>,
    return
  }
  func.func @transform_0(%arg0: i32) -> (i32, i32) {
    %c0_i32 = arith.constant 0 : i32
    %c0_i32_0 = arith.constant 0 : i32
    return %arg0, %c0_i32 : i32, i32
  }
  func.func @transform_1(%arg0: i32) -> (i32, i32, i32) {
    %c0_i32 = arith.constant 0 : i32
    %c0_i32_0 = arith.constant 0 : i32
    %c0_i32_1 = arith.constant 0 : i32
    return %c0_i32, %arg0, %c0_i32_0 : i32, i32, i32
  }
  func.func @transform_2(%arg0: i32) -> (i32, i32, i32, i32) {
    %c0_i32 = arith.constant 0 : i32
    %c0_i32_0 = arith.constant 0 : i32
    %c0_i32_1 = arith.constant 0 : i32
    %c0_i32_2 = arith.constant 0 : i32
    return %c0_i32, %arg0, %c0_i32_0, %c0_i32_1 : i32, i32, i32, i32
  }
  func.func @transform_3(%arg0: i32) -> (i32, i32) {
    %c0_i32 = arith.constant 0 : i32
    %c0_i32_0 = arith.constant 0 : i32
    %c0_i32_1 = arith.constant 0 : i32
    return %c0_i32, %c0_i32_0 : i32, i32
  }
  func.func @transform_4(%arg0: i32) -> (i32, i32) {
    %c0_i32 = arith.constant 0 : i32
    %c0_i32_0 = arith.constant 0 : i32
    return %arg0, %c0_i32 : i32, i32
  }
}

</mosaic_0001>

<sc_bundles>
// kernel: kernel.5.cloned.1.call-start
scs
__scs_entry_jumppad:
0x0: {  	(pc) =	sbr.rel $0x88, $3  }
0x1: {  	(tag) =	ssettag $0x0;
	lr =	simm.s32 $0x1  }
0x2: {  	[smem:$0x3F9B] =	sst lr;
	_ =	strace $0xD0000000  }
0x3: {  	_ = 	snop  }
0x4: {  	_ = 	snop  }
0x5: {  	_ = 	snop  }
0x6: {  	_ = 	snop  }
0x7: {  	_ = 	snop  }
__scs_overlays_trampoline_lowered:
0x8: {  	[smem:$0x3FAA] =	sst s0  }
0x9: {  	[smem:$0x3FAB] =	sst s1  }
0xa: {  	[smem:$0x3FAC] =	sst s2  }
0xb: {  	[smem:$0x3FAD] =	sst s3  }
0xc: {  	[smem:$0x3FAE] =	sst s4  }
0xd: {  	[smem:$0x3FAF] =	sst s5  }
0xe: {  	[smem:$0x3FB0] =	sst s6  }
0xf: {  	[smem:$0x3FB1] =	sst s7  }
0x10: {  	[smem:$0x3FB2] =	sst s8  }
0x11: {  	[smem:$0x3FB3] =	sst s9;
	s0 =	simm.s32 @!p0 $0x0  }
0x12: {  	s1 =	sld [smem:$0x3F99];
	s0 =	simm.s32 @p0 $0x1  }
0x13: {  	[smem:$0x3FB4] =	sst s0;
	s0 =	simm.s32 @!p1 $0x0  }
0x14: {  	s2 =	sld [smem:$0x3F98];
	s0 =	simm.s32 @p1 $0x1  }
0x15: {  	[smem:$0x3FB5] =	sst s0;
	s0 =	simm.s32 @!p2 $0x0  }
0x16: {  	s3 =	sld [smem:$0x3FDB];
	s0 =	simm.s32 @p2 $0x1  }
0x17: {  	s4 =	simm.s32 $0x1BF5;
	[smem:$0x3FB7] =	sst s0  }
0x18: {  	s0 =	sld [smem:$0x3F9A];
	_ =	swait.ge [sflag:s4], $0x0  }
0x19: {  	s7 =	sld [smem:$0x3F9B]  }
0x1a: {  	s8 =	sadd.s32 $0xFFFFE003, lr  }
0x1b: {  	s9 =	sadd.s32 $0xFFFFFEF7, lr;
	s5 =	simm.s32 $0xFFFFFFFF;
	p2 =	slt.u32 s8, $0xFFFFF086  }
0x1c: {  	p1 =	slt.u32 s9, $0xF7A;
	s5 =	simm.s32 @!p2 $0x0  }
0x1d: {  	s5 =	simm.s32 @p1 $0x1;
	p0 =	seq.s32 s7, s2  }
0x1e: {  	s7 =	smul.u32 @!p0 $0xF7A, s2;
	p2 =	seq.s32 @!p0 s5, $0x0  }
0x1f: {  	s9 =	smul.u32 $0xF7A, s1;
	s8 =	simm.s32 @!p0 $0x1BF5;
	p2 =	por !p2, p0  }
0x20: {  	[sflag:s8] =	ssyncset.s32 @!p0 $0xFFFFF086;
	s6 =	sadd.s32 @!p0 s3, s7;
	s7 =	simm.s32 @!p0 $0x108  }
0x21: {  	s3 =	sadd.s32 s3, s9;
	s6 =	sadd.s32 @!p0 $0x88, s6;
	s7 =	simm.s32 @p2 $0x1082  }
0x22: {  	[simem:s7], [sflag:s8] =	dma.local @!p0 [hbm:s6], $0xF7A  }
0x23: {  	s9 =	sor.u32 $0xD0000000, s2;
	s6 =	simm.s32 $0x108;
	_ =	swait.ge @!p0 [sflag:s8], $0x0  }
0x24: {  	s3 =	sadd.s32 $0x88, s3;
	s6 =	simm.s32 @!p1 $0x1082;
	[sflag:s4] =	ssyncset.s32 $0xFFFFF086  }
0x25: {  	[simem:s6], [sflag:s4] =	dma.local [hbm:s3], $0xF7A  }
0x26: {  	[smem:$0x3F9B] =	sst s1;
	(tag) =	ssettag s2;
	_ =	strace s9  }
0x27: {  	s1 =	sld [smem:$0x3FAB]  }
0x28: {  	s2 =	sld [smem:$0x3FAC]  }
0x29: {  	s4 =	sld [smem:$0x3FAE]  }
0x2a: {  	p0 =	seq.s32 s5, $0x0;
	s5 =	sld [smem:$0x3FAF]  }
0x2b: {  	s6 =	sld [smem:$0x3FB0]  }
0x2c: {  	s7 =	sld [smem:$0x3FB1]  }
0x2d: {  	s3 =	simm.s32 $0x108;
	s8 =	sld [smem:$0x3FB2]  }
0x2e: {  	s3 =	simm.s32 @!p0 $0x1082;
	s9 =	sld [smem:$0x3FB3]  }
0x2f: {  	lr =	sadd.s32 s0, s3;
	s0 =	sld [smem:$0x3FAA]  }
0x30: {  	s3 =	sld [smem:$0x3FAD]  }
0x31: {  	[smem:$0x3FB6] =	sst s10  }
0x32: {  	s10 =	sld [smem:$0x3FB4];
	_ =	sdelay $0x3  }
0x33: {  	p0 =	seq.s32 s10, $0x1;
	s10 =	sld [smem:$0x3FB6];
	_ =	sdelay $0x3  }
0x34: {  	[smem:$0x3FB6] =	sst s10  }
0x35: {  	s10 =	sld [smem:$0x3FB5];
	_ =	sdelay $0x3  }
0x36: {  	p1 =	seq.s32 s10, $0x1;
	s10 =	sld [smem:$0x3FB6];
	_ =	sdelay $0x3  }
0x37: {  	[smem:$0x3FB6] =	sst s10  }
0x38: {  	s10 =	sld [smem:$0x3FB7]  }
0x39: {  	_ = 	snop;
	(pc) =	sbr.ind lr, $3  }
0x3a: {  	_ = 	snop  }
0x3b: {  	_ = 	snop  }
0x3c: {  	p2 =	seq.s32 s10, $0x1;
	s10 =	sld [smem:$0x3FB6]  }
0x3d: {  	_ =	shalt  }
0x3e: {  	_ =	shalt  }
0x3f: {  	_ =	shalt  }
0x40: {  	_ =	shalt  }
0x41: {  	_ =	shalt  }
0x42: {  	_ =	shalt  }
0x43: {  	_ =	shalt  }
0x44: {  	_ =	shalt  }
0x45: {  	_ =	shalt  }
0x46: {  	_ =	shalt  }
0x47: {  	_ =	shalt  }
0x48: {  	_ =	shalt  }
0x49: {  	_ =	shalt  }
0x4a: {  	_ =	shalt  }
0x4b: {  	_ =	shalt  }
0x4c: {  	_ =	shalt  }
0x4d: {  	_ =	shalt  }
0x4e: {  	_ =	shalt  }
0x4f: {  	_ =	shalt  }
0x50: {  	_ =	shalt  }
0x51: {  	_ =	shalt  }
0x52: {  	_ =	shalt  }
0x53: {  	_ =	shalt  }
0x54: {  	_ =	shalt  }
0x55: {  	_ =	shalt  }
0x56: {  	_ =	shalt  }
0x57: {  	_ =	shalt  }
0x58: {  	_ =	shalt  }
0x59: {  	_ =	shalt  }
0x5a: {  	_ =	shalt  }
0x5b: {  	_ =	shalt  }
0x5c: {  	_ =	shalt  }
0x5d: {  	_ =	shalt  }
0x5e: {  	_ =	shalt  }
0x5f: {  	_ =	shalt  }
0x60: {  	_ =	shalt  }
0x61: {  	_ =	shalt  }
0x62: {  	_ =	shalt  }
0x63: {  	_ =	shalt  }
0x64: {  	_ =	shalt  }
0x65: {  	_ =	shalt  }
0x66: {  	_ =	shalt  }
0x67: {  	_ =	shalt  }
0x68: {  	_ =	shalt  }
0x69: {  	_ =	shalt  }
0x6a: {  	_ =	shalt  }
0x6b: {  	_ =	shalt  }
0x6c: {  	_ =	shalt  }
0x6d: {  	_ =	shalt  }
0x6e: {  	_ =	shalt  }
0x6f: {  	_ =	shalt  }
0x70: {  	_ =	shalt  }
0x71: {  	_ =	shalt  }
0x72: {  	_ =	shalt  }
0x73: {  	_ =	shalt  }
0x74: {  	_ =	shalt  }
0x75: {  	_ =	shalt  }
0x76: {  	_ =	shalt  }
0x77: {  	_ =	shalt  }
0x78: {  	_ =	shalt  }
0x79: {  	_ =	shalt  }
0x7a: {  	_ =	shalt  }
0x7b: {  	_ =	shalt  }
0x7c: {  	_ =	shalt  }
0x7d: {  	_ =	shalt  }
0x7e: {  	_ =	shalt  }
0x7f: {  	_ =	shalt  }
0x80: {  	_ =	shalt  }
0x81: {  	_ =	shalt  }
0x82: {  	_ =	shalt  }
0x83: {  	_ =	shalt  }
0x84: {  	_ =	shalt  }
0x85: {  	_ =	shalt  }
0x86: {  	_ =	shalt  }
0x87: {  	_ =	shalt  }
.Lfunc_end0:
.L_simem_size_0:
called_computation_lowered:
.L_overlay_start_0:
0x88: {  	s2 =	sld [smem:$0x3FD9]  }
0x89: {  	s3 =	sld [smem:$0x3FFE];
	_ =	sdelay $0x1  }
0x8a: {  	s1 =	srdreg.scid  }
0x8b: {  	s0 =	sand.u32 $0x1, s1  }
0x8c: {  	s17 =	sshll.u32 s0, $0xA;
	s2 =	sadd.s32 s3, s2  }
0x8d: {  	s2 =	sadd.s32 s2, s17  }
0x8e: {  	[smem:$0x3FC2] =	sst s2  }
0x8f: {  	_ = 	snop  }
0x90: {  	s2 =	sld [smem:$0x3FC9]  }
0x91: {  	s18 =	sld [smem:$0x3FD0];
	(tm) =	ssettm $0x1  }
0x92: {  	s4 =	sld [smem:$0x3FFB];
	_ =	sdelay $0x3  }
0x93: {  	_ =	strace s4  }
0x94: {  	s4 =	sld [smem:$0x3FFC];
	_ =	sdelay $0x3  }
0x95: {  	_ =	strace s4  }
0x96: {  	s4 =	sld [smem:$0x3FFD];
	_ =	sdelay $0x3  }
0x97: {  	_ =	strace s4  }
0x98: {  	_ =	strace $0x8FFFFFFF  }
0x99: {  	s19 =	sld [smem:$0x3FDB];
	_ =	sdelay $0x1  }
0x9a: {  	s5 =	simm.s32 $_scs_section_size  }
0x9b: {  	s6 =	simm.s32 $_size__tile_overlayer_lowered;
	s7 =	simm.s32 $_tile_overlayer_lowered  }
0x9c: {  	s22 =	simm.s32 $0x1BFF;
	s21 =	sshll.u32 s7, $0x1;
	s4 =	sadd.s32 s5, s19  }
0x9d: {  	s8 =	simm.s32 $0x0;
	s20 =	sshll.u32 s6, $0x1;
	s6 =	sadd.s32 s21, s4  }
0x9e: {  	[timem:s8], [sflag:s22] =	dma.local [hbm:s6], s20  }
0x9f: {  	_ =	swait.ge [sflag:s22], s20  }
0xa0: {  	s5 =	ssub.s32 $0x0, s20;
	[sflag:s22] =	ssyncset.done $0x0  }
0xa1: {  	[sflag:s22] =	ssyncadd.s32 s5;
	_ =	sdelay $0x1  }
0xa2: {  	s23 =	simm.s32 $0x1B8B  }
0xa3: {  	_ =	swait.ge [sflag:s23], $0x1  }
0xa4: {  	[sflag:s23] =	ssyncset.done $0x0  }
0xa5: {  	s25 =	simm.s32 $0x1B8E;
	s24 =	sld [smem:$0x3FFE];
	[sflag:s23] =	ssyncadd.s32 $0xFFFFFFFF  }
0xa6: {  	s26 =	simm.s32 $execute0_lowered;
	[smem:$0x3FD2] =	sst s25  }
0xa7: {  	s6 =	sshll.u32 s26, $0x1;
	_ =	strace $0x80000046;
	[dreg:$0x1] =	wrdreg $0xFFFFFFFF  }
0xa8: {  	s28 =	simm.s32 $_size_execute0_lowered;
	s4 =	sadd.s32 s4, s6;
	[dreg:$0x0] =	wrdreg $0x0  }
0xa9: {  	s6 =	sshll.u32 s28, $0x1;
	[dreg:$0x2] =	wrdreg s4  }
0xaa: {  	[dreg:$0x3] =	wrdreg s6  }
0xab: {  	[dreg:$0x4] =	wrdreg $0xC0  }
0xac: {  	_ =	task [dreg:s8], $0x5FFFF  }
0xad: {  	[dreg:$0x1] =	wrdreg $0xFFFFFFFF  }
0xae: {  	[dreg:$0x0] =	wrdreg $0x60  }
0xaf: {  	[dreg:$0x2] =	wrdreg s2  }
0xb0: {  	[dreg:$0x3] =	wrdreg s18  }
0xb1: {  	[dreg:$0x4] =	wrdreg s24  }
0xb2: {  	[dreg:$0x5] =	wrdreg $0xA7000  }
0xb3: {  	[dreg:$0x6] =	wrdreg $0x1E7000  }
0xb4: {  	[dreg:$0x7] =	wrdreg $0x9  }
0xb5: {  	_ =	task.clear_ibuf [dreg:s8], $0x8FFFF;
	_ =	strace $0x90000046  }
0xb6: {  	s29 =	simm.s32 $0x9;
	_ =	strace $0x80000048  }
0xb7: {  	_ =	swait.ge [sflag:s29], $0x1  }
0xb8: {  	[sflag:s29] =	ssyncadd.s32 $0xFFFFFFFF  }
0xb9: {  	_ =	strace $0x90000048  }
0xba: {  	_ =	sfence  }
0xbb: {  	s30 =	sld [smem:$0x0];
	_ =	sdelay $0x2  }
0xbc: {  	s31 =	sshll.u32 s1, $0xD;
	s1 =	sshrl.u32 s1, $0x2  }
0xbd: {  	s3 =	sand.u32 $0x4000, s31;
	s1 =	sadd.s32 s1, s30  }
0xbe: {  	s0 =	sor.u32 s3, s0;
	s1 =	sshll.u32 s1, $0x11  }
0xbf: {  	s0 =	sor.u32 s1, s0  }
0xc0: {  	s0 =	sadd.s32 $0x8F2B, s0  }
0xc1: {  	[sflag:s0] =	ssyncadd.remote.s32 $0x1  }
0xc2: {  	_ =	sfence.sel $0xFFFF  }
0xc3: {  	[dreg:$0x0] =	wrdreg $0xFFFFFFFF;
	(pc) =	sbr.abs _section_cstart, $3  }
0xc4: {  	[dreg:$0x1] =	wrdreg $0xFFFFFFFF  }
0xc5: {  	_ =	task.clear_ibuf [dreg:s8], $0x2FFFF;
	_ =	strace $0x9FFFFFFF  }
0xc6: {  	(tm) =	ssettm $0x7FFFFFFF  }
0xc7: {  	_ =	shalt  }
tec
execute0_lowered:
.L_overlay_start_1:
0x0: {  	(tag) =	ssettag $0x1  }
0x1: {  	s4 =	rddreg [dreg:$0x0]  }
0x2: {  	s2 =	rddreg [dreg:$0x1]  }
0x3: {  	s0 =	rddreg [dreg:$0x2]  }
0x4: {  	s5 =	rddreg [dreg:$0x3];
	s16 =	stileid.u32  }
0x5: {  	s25 =	rddreg [dreg:$0x4];
	s7 =	smul.u32 $0x280, s16  }
0x6: {  	s3 =	srdreg.scid;
	s6 =	simm.s32 $0x0;
	s21 =	smul.u32 $0x14000, s16  }
0x7: {  	s3 =	sand.u32 $0x1, s3;
	[smem:$0x7FF] =	sst s6;
	s15 =	smul.u32 $0x2710, s16  }
0x8: {  	s10 =	sadd.s32 $0x1C00, s0;
	s8 =	smul.u32 $0x2800, s3;
	_ =	strace $0x80000047  }
0x9: {  	s9 =	sshll.u32 s3, $0x4;
	s11 =	ssub.s32 $0x2, s3;
	s12 =	smul.u32 $0x140000, s3  }
0xa: {  	s3 =	smul.u32 $0x27100, s3;
	s9 =	sor.u32 s16, s9;
	s20 =	sshrl.u32 s11, $0x1  }
0xb: {  	s18 =	sadd.s32 s7, s25;
	s8 =	sadd.s32 s7, s8;
	s9 =	smul.u32 $0x2710, s9  }
0xc: {  	s7 =	sshll.u32 s7, $0x7;
	s22 =	sadd.s32 s12, s21;
	s3 =	sadd.s32 s15, s3  }
0xd: {  	[dreg:$0xd] =	wrdreg s18;
	s8 =	sshrl.u32 s8, $0x3;
	s14 =	sadd.s32 $0xC000, s7  }
0xe: {  	s19 =	sadd.s32 $0x4E340, s3;
	s21 =	sadd.s32 $0x190, s3;
	s9 =	sshrl.u32 s9, $0x3  }
0xf: {  	s0 =	sadd.s32 s8, s0;
	s8 =	ssub.s32 s11, s20;
	s17 =	sadd.s32 s2, s9  }
0x10: {  	s11 =	sadd.s32 $0x4000, s7;
	s0 =	sadd.s32 $0x51C00, s0;
	[dreg:$0xe] =	wrdreg s17  }
0x11: {  	s1 =	sadd.s32 s12, s14;
	s9 =	sadd.s32 $0x9C40, s17;
	[dreg:$0x17] =	wrdreg s0  }
0x12: {  	s23 =	sadd.s32 s12, s11;
	s13 =	sadd.s32 $0xA, s17;
	[dreg:$0xf] =	wrdreg s9  }
0x13: {  	s20 =	sshrl.u32 s19, $0x3;
	s24 =	sshrl.u32 s23, $0x3;
	[dreg:$0x10] =	wrdreg s13  }
0x14: {  	s9 =	sshrl.u32 s22, $0x3;
	s13 =	sadd.s32 $0x8000, s7;
	s7 =	sadd.s32 $0x10000, s7  }
0x15: {  	s22 =	sadd.s32 $0x4E390, s3;
	s9 =	sadd.s32 s10, s9;
	s26 =	sadd.s32 s12, s13  }
0x16: {  	s12 =	sadd.s32 s12, s7;
	[dreg:$0x11] =	wrdreg s9;
	s9 =	sadd.s32 s10, s24  }
0x17: {  	s15 =	sshrl.u32 s12, $0x3;
	[dreg:$0x12] =	wrdreg s9;
	s9 =	sshrl.u32 s26, $0x3  }
0x18: {  	s24 =	sshrl.u32 s22, $0x3;
	s12 =	sadd.s32 $0x4E2F0, s3;
	s9 =	sadd.s32 s10, s9  }
0x19: {  	s26 =	sadd.s32 s24, s2;
	[dreg:$0x13] =	wrdreg s9;
	s9 =	sshrl.u32 s1, $0x3  }
0x1a: {  	s24 =	sadd.s32 $0x4E2A0, s3;
	[dreg:$0x8] =	wrdreg s26;
	s9 =	sadd.s32 s10, s9  }
0x1b: {  	s1 =	sadd.s32 $0xF0, s3;
	[dreg:$0x14] =	wrdreg s9;
	s9 =	sadd.s32 s10, s15  }
0x1c: {  	s10 =	sshrl.u32 s21, $0x3;
	s15 =	sadd.s32 $0xA0, s3;
	s21 =	smul.u32 $0x50000, s16  }
0x1d: {  	[dreg:$0x15] =	wrdreg s9;
	s9 =	sadd.s32 s20, s2;
	s23 =	sadd.s32 s10, s2  }
0x1e: {  	s10 =	sshrl.u32 s1, $0x3;
	s20 =	sshrl.u32 s15, $0x3;
	[dreg:$0x6] =	wrdreg s9  }
0x1f: {  	s1 =	smax.u32 s8, $0x1;
	[dreg:$0x7] =	wrdreg s23;
	s9 =	sadd.s32 s10, s2  }
0x20: {  	s10 =	sshrl.u32 s12, $0x3;
	s22 =	sadd.s32 s20, s2;
	[dreg:$0x18] =	wrdreg s1  }
0x21: {  	s23 =	sadd.s32 $0x9C4A, s17;
	s26 =	sshrl.u32 s21, $0x2;
	[dreg:$0x9] =	wrdreg s9  }
0x22: {  	s12 =	smov.u32 s2;
	s19 =	sadd.s32 s10, s2;
	[dreg:$0x16] =	wrdreg s23  }
0x23: {  	[dreg:$0xb] =	wrdreg s22;
	s10 =	sadd.s32 s11, s5;
	s11 =	sadd.s32 s13, s5  }
0x24: {  	s13 =	sadd.s32 s14, s5;
	s14 =	sadd.s32 $0x140, s3;
	[dreg:$0xa] =	wrdreg s19  }
0x25: {  	s9 =	sshrl.u32 s24, $0x3;
	s15 =	sadd.s32 s26, s5;
	[dreg:$0x1b] =	wrdreg s14  }
0x26: {  	s8 =	sadd.s32 s9, s12;
	[dreg:$0x19] =	wrdreg s15  }
0x27: {  	s9 =	sadd.s32 $0x2800, s15;
	[dreg:$0xc] =	wrdreg s8  }
0x28: {  	s0 =	sshrl.u32 s10, $0x3;
	[dreg:$0x1a] =	wrdreg s9  }
0x29: {  	s16 =	sshrl.u32 s11, $0x3;
	[dreg:$0x1c] =	wrdreg s0  }
0x2a: {  	s7 =	sadd.s32 s7, s5;
	s17 =	sshrl.u32 s13, $0x3;
	[dreg:$0x1d] =	wrdreg s16  }
0x2b: {  	s28 =	simm.s32 $0x9;
	s19 =	sshrl.u32 s7, $0x3;
	[dreg:$0x1e] =	wrdreg s17  }
0x2c: {  	s29 =	simm.s32 $0x4;
	s20 =	sadd.s32 $0x5000, s15;
	[dreg:$0x1f] =	wrdreg s19  }
0x2d: {  	s30 =	simm.s32 $0x2C00;
	s21 =	sadd.s32 $0x7800, s15;
	[smem:$0x7F8] =	sst s20  }
0x2e: {  	s31 =	simm.s32 $0x6;
	s22 =	sadd.s32 $0xA000, s15;
	[smem:$0x7F9] =	sst s21  }
0x2f: {  	s3 =	simm.s32 $0x200;
	s23 =	sadd.s32 $0xC800, s15;
	[smem:$0x7FA] =	sst s22  }
0x30: {  	s24 =	sadd.s32 $0xF000, s15;
	s26 =	sadd.s32 $0x11800, s15;
	[smem:$0x7FB] =	sst s23  }
0x31: {  	s11 =	simm.s32 $0xD;
	s13 =	simm.s32 $0x1;
	[smem:$0x7FC] =	sst s24  }
0x32: {  	s14 =	simm.s32 $0x50;
	s10 =	simm.s32 $0x300;
	[smem:$0x7FD] =	sst s26  }
0x33: {  	s17 =	simm.s32 $0x2;
	s16 =	simm.s32 $0x5;
	s8 =	simm.s32 $0xA400  }
0x34: {  	s24 =	simm.s32 $0x3;
	s26 =	simm.s32 $0x5400;
	s0 =	simm.s32 $0x0  }
0x35: {  	v0 =	vimm.f32 $0.0e+00;
	v1 =	vimm.f32 $1.000000000e+00;
	s23 =	simm.s32 $0x5;
	s20 =	simm.s32 $0x300;
	s22 =	simm.s32 $0x7  }
.LBB2_1:
0x36: {  	s7 =	sand.u32 $0xFE00, s6  }
0x37: {  	[smem:$0x7F7] =	sst s0;
	s9 =	sand.u32 $0x70, s6;
	s19 =	sshrl.u32 s7, $0x2  }
0x38: {  	s7 =	simm.s32 $0x40;
	s19 =	sor.u32 s9, s19;
	s9 =	simm.s32 $0x0  }
.LBB2_2:
0x39: {  	p0 =	sne.s32 s7, $0x9FC0  }
0x3a: {  	[tilespmem:s19+$0x400] =	vst v0;
	s9 =	sadd.s32 $0x10, s9;
	s19 =	smov.u32 s7;
	s7 =	sadd.s32 $0x40, s7  }
.Ltmp0:
0x3b: {  	(pc) =	sbr.rel @p0 .LBB2_2-.Ltmp0, $4  }
0x3c: {  	_ = 	snop  }
0x3d: {  	s19 =	sand.u32 $0xFE00, s19  }
0x3e: {  	s21 =	sand.u32 $0x70, s9;
	s19 =	sshrl.u32 s19, $0x2  }
0x3f: {  	s19 =	sor.u32 s21, s19  }
0x40: {  	[tilespmem:s19+$0x400] =	vst v0  }
0x41: {  	[tilespmem:$0xA480] =	vst v0  }
0x42: {  	[tilespmem:$0xA490] =	vst v0  }
0x43: {  	[tilespmem:$0xA4A0] =	vst v0  }
0x44: {  	[tilespmem:$0xA4B0] =	vst v0  }
0x45: {  	[tilespmem:$0xA4C0] =	vst v0  }
0x46: {  	[tilespmem:$0xA4D0] =	vst v0  }
0x47: {  	[tilespmem:$0xA4E0] =	vst v0  }
0x48: {  	[tilespmem:$0xA4F0] =	vst v0  }
0x49: {  	[tilespmem:$0xA500] =	vst v0  }
0x4a: {  	[tilespmem:$0xA510] =	vst v0  }
0x4b: {  	[tilespmem:$0xA520] =	vst v0  }
0x4c: {  	[tilespmem:$0xA530] =	vst v0  }
0x4d: {  	[tilespmem:$0xA540] =	vst v0  }
0x4e: {  	[tilespmem:$0xA550] =	vst v0  }
0x4f: {  	[tilespmem:$0xA560] =	vst v0  }
0x50: {  	[tilespmem:$0xA570] =	vst v0  }
0x51: {  	[tilespmem:$0xA580] =	vst v0  }
0x52: {  	[tilespmem:$0xA590] =	vst v0  }
0x53: {  	[tilespmem:$0xA5A0] =	vst v0  }
0x54: {  	[tilespmem:$0xA5B0] =	vst v0  }
0x55: {  	[tilespmem:$0xA5C0] =	vst v0  }
0x56: {  	[tilespmem:$0xA5D0] =	vst v0  }
0x57: {  	[tilespmem:$0xA5E0] =	vst v0  }
0x58: {  	[tilespmem:$0xA5F0] =	vst v0  }
0x59: {  	[tilespmem:$0xA600] =	vst v0  }
0x5a: {  	[tilespmem:$0xA610] =	vst v0  }
0x5b: {  	[tilespmem:$0xA620] =	vst v0  }
0x5c: {  	[tilespmem:$0xA630] =	vst v0  }
0x5d: {  	[tilespmem:$0xA640] =	vst v0  }
0x5e: {  	[tilespmem:$0xA650] =	vst v0  }
0x5f: {  	[tilespmem:$0xA660] =	vst v0  }
0x60: {  	[tilespmem:$0xA670] =	vst v0  }
0x61: {  	[tilespmem:$0xA680] =	vst v0  }
0x62: {  	[tilespmem:$0xA690] =	vst v0  }
0x63: {  	[tilespmem:$0xA6A0] =	vst v0  }
0x64: {  	[tilespmem:$0xA6B0] =	vst v0  }
0x65: {  	[tilespmem:$0xA6C0] =	vst v0  }
0x66: {  	[tilespmem:$0xA6D0] =	vst v0  }
0x67: {  	[tilespmem:$0xA6E0] =	vst v0  }
0x68: {  	[tilespmem:$0xA6F0] =	vst v0  }
0x69: {  	[tilespmem:$0xA400] =	vst v1  }
0x6a: {  	[tilespmem:$0xA410] =	vst v1  }
0x6b: {  	[tilespmem:$0xA420] =	vst v1  }
0x6c: {  	[tilespmem:$0xA430] =	vst v1  }
0x6d: {  	s2 =	simm.s32 $0x400;
	[tilespmem:$0xA440] =	vst v1  }
0x6e: {  	[spmem:s15] =	stream.linear.scatter [tilespmem:s2], [sflag:$0xD], $0x2800, $0x38;
	[tilespmem:$0x1E980] =	vst v63  }
0x6f: {  	_ =	swait.ge [sflag:s11], $0x2800  }
0x70: {  	[sflag:s11] =	ssyncset.done $0x0  }
0x71: {  	s15 =	simm.s32 $0x400;
	s7 =	rddreg [dreg:$0x1a];
	[sflag:s11] =	ssyncadd.s32 $0xFFFFD800  }
0x72: {  	[spmem:s7] =	stream.linear.scatter [tilespmem:s15], [sflag:$0xD], $0x2800, $0x38;
	[tilespmem:$0x1E980] =	vst v63  }
0x73: {  	_ =	swait.ge [sflag:s11], $0x2800  }
0x74: {  	s9 =	sld [smem:$0x7F8]  }
0x75: {  	[sflag:s11] =	ssyncset.done $0x0  }
0x76: {  	[sflag:s11] =	ssyncadd.s32 $0xFFFFD800  }
0x77: {  	[spmem:s9] =	stream.linear.scatter [tilespmem:s15], [sflag:$0xD], $0x2800, $0x38;
	[tilespmem:$0x1E980] =	vst v63  }
0x78: {  	_ =	swait.ge [sflag:s11], $0x2800  }
0x79: {  	s19 =	sld [smem:$0x7F9]  }
0x7a: {  	[sflag:s11] =	ssyncset.done $0x0  }
0x7b: {  	[sflag:s11] =	ssyncadd.s32 $0xFFFFD800  }
0x7c: {  	[spmem:s19] =	stream.linear.scatter [tilespmem:s15], [sflag:$0xD], $0x2800, $0x38;
	[tilespmem:$0x1E980] =	vst v63  }
0x7d: {  	_ =	swait.ge [sflag:s11], $0x2800  }
0x7e: {  	s21 =	sld [smem:$0x7FA]  }
0x7f: {  	[sflag:s11] =	ssyncset.done $0x0  }
0x80: {  	[sflag:s11] =	ssyncadd.s32 $0xFFFFD800  }
0x81: {  	[spmem:s21] =	stream.linear.scatter [tilespmem:s15], [sflag:$0xD], $0x2800, $0x38;
	[tilespmem:$0x1E980] =	vst v63  }
0x82: {  	_ =	swait.ge [sflag:s11], $0x2800  }
0x83: {  	s0 =	sld [smem:$0x7FB]  }
0x84: {  	[sflag:s11] =	ssyncset.done $0x0  }
0x85: {  	[sflag:s11] =	ssyncadd.s32 $0xFFFFD800  }
0x86: {  	[spmem:s0] =	stream.linear.scatter [tilespmem:s15], [sflag:$0xD], $0x2800, $0x38;
	[tilespmem:$0x1E980] =	vst v63  }
0x87: {  	_ =	swait.ge [sflag:s11], $0x2800  }
0x88: {  	s1 =	sld [smem:$0x7FC]  }
0x89: {  	[sflag:s11] =	ssyncset.done $0x0  }
0x8a: {  	[sflag:s11] =	ssyncadd.s32 $0xFFFFD800  }
0x8b: {  	[spmem:s1] =	stream.linear.scatter [tilespmem:s15], [sflag:$0xD], $0x2800, $0x38;
	[tilespmem:$0x1E980] =	vst v63  }
0x8c: {  	_ =	swait.ge [sflag:s11], $0x2800  }
0x8d: {  	s7 =	sld [smem:$0x7FD]  }
0x8e: {  	[sflag:s11] =	ssyncset.done $0x0  }
0x8f: {  	[sflag:s11] =	ssyncadd.s32 $0xFFFFD800  }
0x90: {  	[spmem:s7] =	stream.linear.scatter [tilespmem:s15], [sflag:$0xD], $0x2800, $0x38;
	[tilespmem:$0x1E980] =	vst v63  }
0x91: {  	_ =	swait.ge [sflag:s11], $0x2800  }
0x92: {  	[sflag:s11] =	ssyncset.done $0x0  }
0x93: {  	s9 =	simm.s32 $0xA480;
	[sflag:s11] =	ssyncadd.s32 $0xFFFFD800  }
0x94: {  	[spmem:s18] =	stream.linear.scatter [tilespmem:s9], [sflag:$0xD], $0x280, $0x38;
	[tilespmem:$0x1E980] =	vst v63  }
0x95: {  	_ =	swait.ge [sflag:s11], $0x280  }
0x96: {  	[sflag:s11] =	ssyncset.done $0x0  }
0x97: {  	[sflag:s11] =	ssyncadd.s32 $0xFFFFFD80  }
0x98: {  	[bflag:$0x0] =	sbarrier.arrive $0xFFFF  }
0x99: {  	s7 =	simm.s32 $0x0;
	s19 =	rddreg [dreg:$0xe]  }
0x9a: {  	[tilespmem:s7], [sflag:$0x1] =	stream.linear.gather [hbm4b:s19+s7], $0x50, $0x38;
	[tilespmem:$0x1E980] =	vst v63  }
0x9b: {  	s21 =	rddreg [dreg:$0xf]  }
0x9c: {  	[tilespmem:s3], [sflag:$0x1] =	stream.linear.gather [hbm4b:s21+s7], $0x50, $0x38;
	[tilespmem:$0x1E980] =	vst v63  }
0x9d: {  	s18 =	simm.s32 $0x80;
	s0 =	rddreg [dreg:$0x10]  }
0x9e: {  	[tilespmem:s18], [sflag:$0x2] =	stream.linear.gather [hbm4b:s0+s7], $0x50, $0x38;
	[tilespmem:$0x1E980] =	vst v63  }
0x9f: {  	s1 =	rddreg [dreg:$0x16];
	s0 =	simm.s32 $0x280  }
0xa0: {  	[tilespmem:s0], [sflag:$0x2] =	stream.linear.gather [hbm4b:s1+s7], $0x50, $0x38;
	[tilespmem:$0x1E980] =	vst v63  }
0xa1: {  	_ =	swait.ge [sflag:s13], $0x50  }
0xa2: {  	[sflag:s13] =	ssyncset.done $0x0  }
0xa3: {  	[sflag:s13] =	ssyncadd.s32 $0xFFFFFFB0  }
0xa4: {  	_ =	swait.ge [sflag:s13], $0x50  }
0xa5: {  	p0 =	por $0x1, $0x1;
	[sflag:s13] =	ssyncset.done $0x0  }
0xa6: {  	p0 =	por p0, p0;
	[sflag:s13] =	ssyncadd.s32 $0xFFFFFFB0  }
0xa7: {  	[tilespmem:s15], [sflag:$0x5] =	stream.indirect.gather [hbm4b:s4+s14], $0x80, s7, s14, $0xb8;
	[tilespmem:$0x1E980] =	vst v63  }
0xa8: {  	s7 =	simm.s32 @!p0 $0xB  }
0xa9: {  	_ =	swait.ge @!p0 [sflag:s7], $0x2800  }
0xaa: {  	[sflag:s7] =	ssyncset.done @!p0 $0x0  }
0xab: {  	[sflag:s7] =	ssyncadd.s32 @!p0 $0xFFFFD800  }
0xac: {  	_ =	swait.ge @!p0 [sflag:s7], $0x50  }
0xad: {  	s1 =	simm.s32 $0x100;
	s9 =	rddreg [dreg:$0xb];
	[sflag:s7] =	ssyncset.done @!p0 $0x0  }
0xae: {  	s2 =	rddreg [dreg:$0xc];
	[sflag:s7] =	ssyncadd.s32 @!p0 $0xFFFFFFB0;
	s11 =	sadd.s32 $0x0, s9  }
0xaf: {  	[tilespmem:s1], [sflag:$0x3] =	stream.linear.gather [hbm4b:s11+s6], $0x50, $0x38;
	[tilespmem:$0x1E980] =	vst v63  }
0xb0: {  	s21 =	sadd.s32 $0x0, s2  }
0xb1: {  	[tilespmem:s10], [sflag:$0x3] =	stream.linear.gather [hbm4b:s21+s6], $0x50, $0x38;
	[tilespmem:$0x1E980] =	vst v63  }
0xb2: {  	_ =	swait.ge [sflag:s17], $0x50  }
0xb3: {  	[sflag:s17] =	ssyncset.done $0x0  }
0xb4: {  	[sflag:s17] =	ssyncadd.s32 $0xFFFFFFB0  }
0xb5: {  	_ =	swait.ge [sflag:s17], $0x50  }
0xb6: {  	[sflag:s17] =	ssyncset.done $0x0  }
0xb7: {  	[sflag:s17] =	ssyncadd.s32 $0xFFFFFFB0  }
0xb8: {  	[tilespmem:s30], [sflag:$0x6] =	stream.indirect.gather [hbm4b:s4+s14], $0x80, s18, s14, $0xb8;
	[tilespmem:$0x1E980] =	vst v63  }
0xb9: {  	_ =	swait.ge [sflag:s16], $0x2800  }
0xba: {  	[sflag:s16] =	ssyncset.done $0x0  }
0xbb: {  	[sflag:s16] =	ssyncadd.s32 $0xFFFFD800  }
0xbc: {  	[spmem:s5] =	stream.indirect.scatter.add.f32 [tilespmem:s15], [sflag:$0x9], $0x80, s3, s14, $0xb8;
	[tilespmem:$0x1E980] =	vst v63  }
0xbd: {  	s7 =	simm.s32 @!p0 $0xC  }
0xbe: {  	[spmem:s25] =	stream.indirect.scatter.add.f32 [tilespmem:s8], [sflag:$0x9], $0x1, s3, s14, $0xb8;
	[tilespmem:$0x1E980] =	vst v63  }
0xbf: {  	_ =	swait.ge @!p0 [sflag:s7], $0x2800  }
0xc0: {  	[sflag:s7] =	ssyncset.done @!p0 $0x0  }
0xc1: {  	[sflag:s7] =	ssyncadd.s32 @!p0 $0xFFFFD800  }
0xc2: {  	_ =	swait.ge @!p0 [sflag:s7], $0x50  }
0xc3: {  	s10 =	simm.s32 $0x180;
	s2 =	rddreg [dreg:$0x9];
	[sflag:s7] =	ssyncset.done @!p0 $0x0  }
0xc4: {  	s3 =	rddreg [dreg:$0xa];
	[sflag:s7] =	ssyncadd.s32 @!p0 $0xFFFFFFB0;
	s11 =	sadd.s32 $0x0, s2  }
0xc5: {  	[tilespmem:s10], [sflag:$0x4] =	stream.linear.gather [hbm4b:s11+s6], $0x50, $0x38;
	[tilespmem:$0x1E980] =	vst v63  }
0xc6: {  	s19 =	sadd.s32 $0x0, s3;
	s11 =	simm.s32 $0x380  }
0xc7: {  	[tilespmem:s11], [sflag:$0x4] =	stream.linear.gather [hbm4b:s19+s6], $0x50, $0x38;
	[tilespmem:$0x1E980] =	vst v63  }
0xc8: {  	_ =	swait.ge [sflag:s24], $0x50  }
0xc9: {  	[sflag:s24] =	ssyncset.done $0x0  }
0xca: {  	[sflag:s24] =	ssyncadd.s32 $0xFFFFFFB0  }
0xcb: {  	_ =	swait.ge [sflag:s24], $0x50  }
0xcc: {  	[sflag:s24] =	ssyncset.done $0x0  }
0xcd: {  	[sflag:s24] =	ssyncadd.s32 $0xFFFFFFB0  }
0xce: {  	[tilespmem:s26], [sflag:$0x7] =	stream.indirect.gather [hbm4b:s4+s14], $0x80, s1, s14, $0xb8;
	[tilespmem:$0x1E980] =	vst v63  }
0xcf: {  	_ =	swait.ge [sflag:s31], $0x2800  }
0xd0: {  	[sflag:s31] =	ssyncset.done $0x0  }
0xd1: {  	[sflag:s31] =	ssyncadd.s32 $0xFFFFD800  }
0xd2: {  	[spmem:s5] =	stream.indirect.scatter.add.f32 [tilespmem:s30], [sflag:$0xA], $0x80, s0, s14, $0xb8;
	[tilespmem:$0x1E980] =	vst v63  }
0xd3: {  	_ = 	snop  }
0xd4: {  	[spmem:s25] =	stream.indirect.scatter.add.f32 [tilespmem:s8], [sflag:$0xA], $0x1, s0, s14, $0xb8;
	[tilespmem:$0x1E980] =	vst v63  }
0xd5: {  	_ =	swait.ge [sflag:s28], $0x2800  }
0xd6: {  	[sflag:s28] =	ssyncset.done $0x0  }
0xd7: {  	[sflag:s28] =	ssyncadd.s32 $0xFFFFD800  }
0xd8: {  	_ =	swait.ge [sflag:s28], $0x50  }
0xd9: {  	s2 =	rddreg [dreg:$0x1b]  }
0xda: {  	[sflag:s28] =	ssyncset.done $0x0;
	s21 =	sshrl.u32 s2, $0x3  }
0xdb: {  	s0 =	rddreg [dreg:$0x6];
	[sflag:s28] =	ssyncadd.s32 $0xFFFFFFB0;
	s7 =	sadd.s32 s12, s21  }
0xdc: {  	[tilespmem:s6], [sflag:$0x1] =	stream.linear.gather [hbm4b:s7+s6], $0x50, $0x38;
	[tilespmem:$0x1E980] =	vst v63  }
0xdd: {  	s16 =	simm.s32 $0x200;
	s1 =	sadd.s32 $0x0, s0  }
0xde: {  	[tilespmem:s16], [sflag:$0x1] =	stream.linear.gather [hbm4b:s1+s6], $0x50, $0x38;
	[tilespmem:$0x1E980] =	vst v63  }
0xdf: {  	_ =	swait.ge [sflag:s29], $0x50  }
0xe0: {  	[sflag:s29] =	ssyncset.done $0x0  }
0xe1: {  	[sflag:s29] =	ssyncadd.s32 $0xFFFFFFB0  }
0xe2: {  	_ =	swait.ge [sflag:s29], $0x50  }
0xe3: {  	[sflag:s29] =	ssyncset.done $0x0  }
0xe4: {  	s3 =	simm.s32 $0x7C00;
	[sflag:s29] =	ssyncadd.s32 $0xFFFFFFB0  }
0xe5: {  	[tilespmem:s3], [sflag:$0x8] =	stream.indirect.gather [hbm4b:s4+s14], $0x80, s10, s14, $0xb8;
	[tilespmem:$0x1E980] =	vst v63  }
0xe6: {  	_ =	swait.ge [sflag:s22], $0x2800  }
0xe7: {  	[sflag:s22] =	ssyncset.done $0x0  }
0xe8: {  	p0 =	por $0x0, $0x0;
	[sflag:s22] =	ssyncadd.s32 $0xFFFFD800  }
0xe9: {  	[spmem:s5] =	stream.indirect.scatter.add.f32 [tilespmem:s26], [sflag:$0xB], $0x80, s20, s14, $0xb8;
	[tilespmem:$0x1E980] =	vst v63  }
0xea: {  	s7 =	simm.s32 @!p0 $0xA  }
0xeb: {  	[spmem:s25] =	stream.indirect.scatter.add.f32 [tilespmem:s8], [sflag:$0xB], $0x1, s20, s14, $0xb8;
	[tilespmem:$0x1E980] =	vst v63  }
0xec: {  	_ =	swait.ge @!p0 [sflag:s7], $0x2800  }
0xed: {  	[sflag:s7] =	ssyncset.done @!p0 $0x0  }
0xee: {  	[sflag:s7] =	ssyncadd.s32 @!p0 $0xFFFFD800  }
0xef: {  	s19 =	simm.s32 @!p0 $0x0;
	_ =	swait.ge @!p0 [sflag:s7], $0x50  }
0xf0: {  	s21 =	simm.s32 @!p0 $0x80;
	s9 =	rddreg [dreg:$0x7];
	[sflag:s7] =	ssyncset.done @!p0 $0x0  }
0xf1: {  	[sflag:s7] =	ssyncadd.s32 @!p0 $0xFFFFFFB0;
	s7 =	rddreg [dreg:$0x8];
	s9 =	sadd.s32 @!p0 $0x0, s9  }
0xf2: {  	[tilespmem:s21], [sflag:$0x2] =	stream.linear.gather @!p0 [hbm4b:s9+s19], $0x50, $0x38;
	[tilespmem:$0x1E980] =	vst v63  }
0xf3: {  	s9 =	simm.s32 @!p0 $0x280;
	s7 =	sadd.s32 @!p0 $0x0, s7  }
0xf4: {  	[tilespmem:s9], [sflag:$0x2] =	stream.linear.gather @!p0 [hbm4b:s7+s19], $0x50, $0x38;
	[tilespmem:$0x1E980] =	vst v63  }
0xf5: {  	_ =	swait.ge [sflag:s13], $0x50  }
0xf6: {  	[sflag:s13] =	ssyncset.done $0x0  }
0xf7: {  	[sflag:s13] =	ssyncadd.s32 $0xFFFFFFB0  }
0xf8: {  	_ =	swait.ge [sflag:s13], $0x50  }
0xf9: {  	[sflag:s13] =	ssyncset.done $0x0  }
0xfa: {  	s1 =	simm.s32 $0x8;
	[sflag:s13] =	ssyncadd.s32 $0xFFFFFFB0  }
0xfb: {  	[tilespmem:s15], [sflag:$0x5] =	stream.indirect.gather [hbm4b:s4+s14], $0x80, s6, s14, $0xb8;
	[tilespmem:$0x1E980] =	vst v63  }
0xfc: {  	p6 =	por $0x0, $0x0;
	_ =	swait.ge [sflag:s1], $0x2800  }
0xfd: {  	s21 =	simm.s32 $0x28;
	s7 =	simm.s32 $0x50;
	[sflag:s1] =	ssyncset.done $0x0  }
0xfe: {  	p0 =	por p6, p6;
	s19 =	sadd.s32 $0x140, s2;
	[sflag:s1] =	ssyncadd.s32 $0xFFFFD800  }
0xff: {  	[spmem:s5] =	stream.indirect.scatter.add.f32 [tilespmem:s3], [sflag:$0xC], $0x80, s11, s14, $0xb8;
	[tilespmem:$0x1E980] =	vst v63  }
.LBB2_4:
0x100: {  	s2 =	simm.s32 @!p0 $0xB  }
0x101: {  	[spmem:s25] =	stream.indirect.scatter.add.f32 [tilespmem:s8], [sflag:$0xC], $0x1, s11, s14, $0xb8;
	[tilespmem:$0x1E980] =	vst v63  }
0x102: {  	_ =	swait.ge @!p0 [sflag:s2], $0x2800  }
0x103: {  	[sflag:s2] =	ssyncset.done @!p0 $0x0  }
0x104: {  	[sflag:s2] =	ssyncadd.s32 @!p0 $0xFFFFD800  }
0x105: {  	_ =	swait.ge @!p0 [sflag:s2], $0x50  }
0x106: {  	s0 =	rddreg [dreg:$0xb]  }
0x107: {  	[sflag:s2] =	ssyncset.done @!p0 $0x0;
	s3 =	rddreg [dreg:$0xc]  }
0x108: {  	[sflag:s2] =	ssyncadd.s32 @!p0 $0xFFFFFFB0;
	s11 =	sadd.s32 s21, s0;
	s0 =	simm.s32 $0x100  }
0x109: {  	[tilespmem:s0], [sflag:$0x3] =	stream.linear.gather [hbm4b:s11+s6], $0x50, $0x38;
	[tilespmem:$0x1E980] =	vst v63  }
0x10a: {  	s11 =	sadd.s32 s21, s3  }
0x10b: {  	[tilespmem:s20], [sflag:$0x3] =	stream.linear.gather [hbm4b:s11+s6], $0x50, $0x38;
	[tilespmem:$0x1E980] =	vst v63  }
0x10c: {  	_ =	swait.ge [sflag:s17], $0x50  }
0x10d: {  	[sflag:s17] =	ssyncset.done $0x0  }
0x10e: {  	[sflag:s17] =	ssyncadd.s32 $0xFFFFFFB0  }
0x10f: {  	_ =	swait.ge [sflag:s17], $0x50  }
0x110: {  	[sflag:s17] =	ssyncset.done $0x0  }
0x111: {  	[sflag:s17] =	ssyncadd.s32 $0xFFFFFFB0  }
0x112: {  	[tilespmem:s30], [sflag:$0x6] =	stream.indirect.gather [hbm4b:s4+s14], $0x80, s18, s14, $0xb8;
	[tilespmem:$0x1E980] =	vst v63  }
0x113: {  	_ =	swait.ge [sflag:s23], $0x2800  }
0x114: {  	[sflag:s23] =	ssyncset.done $0x0  }
0x115: {  	[sflag:s23] =	ssyncadd.s32 $0xFFFFD800  }
0x116: {  	[spmem:s5] =	stream.indirect.scatter.add.f32 [tilespmem:s15], [sflag:$0x9], $0x80, s16, s14, $0xb8;
	[tilespmem:$0x1E980] =	vst v63  }
0x117: {  	s2 =	simm.s32 @!p0 $0xC  }
0x118: {  	[spmem:s25] =	stream.indirect.scatter.add.f32 [tilespmem:s8], [sflag:$0x9], $0x1, s16, s14, $0xb8;
	[tilespmem:$0x1E980] =	vst v63  }
0x119: {  	_ =	swait.ge @!p0 [sflag:s2], $0x2800  }
0x11a: {  	[sflag:s2] =	ssyncset.done @!p0 $0x0  }
0x11b: {  	[sflag:s2] =	ssyncadd.s32 @!p0 $0xFFFFD800  }
0x11c: {  	_ =	swait.ge @!p0 [sflag:s2], $0x50  }
0x11d: {  	s15 =	rddreg [dreg:$0x9];
	[sflag:s2] =	ssyncset.done @!p0 $0x0  }
0x11e: {  	s18 =	rddreg [dreg:$0xa];
	[sflag:s2] =	ssyncadd.s32 @!p0 $0xFFFFFFB0;
	s15 =	sadd.s32 s21, s15  }
0x11f: {  	[tilespmem:s10], [sflag:$0x4] =	stream.linear.gather [hbm4b:s15+s6], $0x50, $0x38;
	[tilespmem:$0x1E980] =	vst v63  }
0x120: {  	s26 =	simm.s32 $0x380;
	s18 =	sadd.s32 s21, s18  }
0x121: {  	[tilespmem:s26], [sflag:$0x4] =	stream.linear.gather [hbm4b:s18+s6], $0x50, $0x38;
	[tilespmem:$0x1E980] =	vst v63  }
0x122: {  	_ =	swait.ge [sflag:s24], $0x50  }
0x123: {  	[sflag:s24] =	ssyncset.done $0x0  }
0x124: {  	[sflag:s24] =	ssyncadd.s32 $0xFFFFFFB0  }
0x125: {  	_ =	swait.ge [sflag:s24], $0x50  }
0x126: {  	[sflag:s24] =	ssyncset.done $0x0  }
0x127: {  	s26 =	simm.s32 $0x5400;
	[sflag:s24] =	ssyncadd.s32 $0xFFFFFFB0  }
0x128: {  	[tilespmem:s26], [sflag:$0x7] =	stream.indirect.gather [hbm4b:s4+s14], $0x80, s0, s14, $0xb8;
	[tilespmem:$0x1E980] =	vst v63  }
0x129: {  	_ =	swait.ge [sflag:s31], $0x2800  }
0x12a: {  	[sflag:s31] =	ssyncset.done $0x0  }
0x12b: {  	s3 =	simm.s32 $0x280;
	[sflag:s31] =	ssyncadd.s32 $0xFFFFD800  }
0x12c: {  	[spmem:s5] =	stream.indirect.scatter.add.f32 [tilespmem:s30], [sflag:$0xA], $0x80, s3, s14, $0xb8;
	[tilespmem:$0x1E980] =	vst v63  }
0x12d: {  	_ = 	snop  }
0x12e: {  	[spmem:s25] =	stream.indirect.scatter.add.f32 [tilespmem:s8], [sflag:$0xA], $0x1, s3, s14, $0xb8;
	[tilespmem:$0x1E980] =	vst v63  }
0x12f: {  	_ =	swait.ge [sflag:s28], $0x2800  }
0x130: {  	[sflag:s28] =	ssyncset.done $0x0  }
0x131: {  	[sflag:s28] =	ssyncadd.s32 $0xFFFFD800  }
0x132: {  	_ =	swait.ge [sflag:s28], $0x50  }
0x133: {  	s11 =	sshrl.u32 s19, $0x3;
	[sflag:s28] =	ssyncset.done $0x0  }
0x134: {  	s2 =	sadd.s32 s12, s11;
	s15 =	rddreg [dreg:$0x6];
	[sflag:s28] =	ssyncadd.s32 $0xFFFFFFB0  }
0x135: {  	[tilespmem:s6], [sflag:$0x1] =	stream.linear.gather [hbm4b:s2+s6], $0x50, $0x38;
	[tilespmem:$0x1E980] =	vst v63  }
0x136: {  	s18 =	sadd.s32 s21, s15  }
0x137: {  	[tilespmem:s16], [sflag:$0x1] =	stream.linear.gather [hbm4b:s18+s6], $0x50, $0x38;
	[tilespmem:$0x1E980] =	vst v63  }
0x138: {  	_ =	swait.ge [sflag:s29], $0x50  }
0x139: {  	[sflag:s29] =	ssyncset.done $0x0  }
0x13a: {  	[sflag:s29] =	ssyncadd.s32 $0xFFFFFFB0  }
0x13b: {  	_ =	swait.ge [sflag:s29], $0x50  }
0x13c: {  	[sflag:s29] =	ssyncset.done $0x0  }
0x13d: {  	s0 =	simm.s32 $0x7C00;
	[sflag:s29] =	ssyncadd.s32 $0xFFFFFFB0  }
0x13e: {  	[tilespmem:s0], [sflag:$0x8] =	stream.indirect.gather [hbm4b:s4+s14], $0x80, s10, s14, $0xb8;
	[tilespmem:$0x1E980] =	vst v63  }
0x13f: {  	_ =	swait.ge [sflag:s22], $0x2800  }
0x140: {  	p2 =	seq.s32 s7, $0x0;
	[sflag:s22] =	ssyncset.done $0x0  }
0x141: {  	p0 =	por p2, p2;
	p2 =	seq.s32 s21, $0x4B0;
	[sflag:s22] =	ssyncadd.s32 $0xFFFFD800  }
0x142: {  	[spmem:s5] =	stream.indirect.scatter.add.f32 [tilespmem:s26], [sflag:$0xB], $0x80, s20, s14, $0xb8;
	[tilespmem:$0x1E980] =	vst v63  }
0x143: {  	s2 =	simm.s32 @!p2 $0xA  }
0x144: {  	[spmem:s25] =	stream.indirect.scatter.add.f32 [tilespmem:s8], [sflag:$0xB], $0x1, s20, s14, $0xb8;
	[tilespmem:$0x1E980] =	vst v63  }
0x145: {  	_ =	swait.ge @!p2 [sflag:s2], $0x2800  }
0x146: {  	[sflag:s2] =	ssyncset.done @!p2 $0x0  }
0x147: {  	[sflag:s2] =	ssyncadd.s32 @!p2 $0xFFFFD800  }
0x148: {  	s15 =	simm.s32 @!p2 $0x80;
	_ =	swait.ge @!p2 [sflag:s2], $0x50  }
0x149: {  	s18 =	simm.s32 @!p2 $0x0;
	[sflag:s2] =	ssyncset.done @!p2 $0x0;
	s3 =	rddreg [dreg:$0x7]  }
0x14a: {  	[sflag:s2] =	ssyncadd.s32 @!p2 $0xFFFFFFB0;
	s2 =	rddreg [dreg:$0x8];
	s3 =	sadd.s32 @!p2 s21, s3  }
0x14b: {  	[tilespmem:s15], [sflag:$0x2] =	stream.linear.gather @!p2 [hbm4b:s3+s18], $0x50, $0x38;
	[tilespmem:$0x1E980] =	vst v63  }
0x14c: {  	s11 =	simm.s32 @!p2 $0x280;
	s2 =	sadd.s32 @!p2 s21, s2  }
0x14d: {  	[tilespmem:s11], [sflag:$0x2] =	stream.linear.gather @!p2 [hbm4b:s2+s18], $0x50, $0x38;
	[tilespmem:$0x1E980] =	vst v63  }
0x14e: {  	_ =	swait.ge [sflag:s13], $0x50  }
0x14f: {  	[sflag:s13] =	ssyncset.done $0x0  }
0x150: {  	[sflag:s13] =	ssyncadd.s32 $0xFFFFFFB0  }
0x151: {  	_ =	swait.ge [sflag:s13], $0x50  }
0x152: {  	s9 =	smov.u32 s7;
	s7 =	sadd.s32 $0x28, s7;
	[sflag:s13] =	ssyncset.done $0x0  }
0x153: {  	p1 =	sne.s32 s7, $0x4D8;
	s15 =	simm.s32 $0x400;
	[sflag:s13] =	ssyncadd.s32 $0xFFFFFFB0  }
0x154: {  	[tilespmem:s15], [sflag:$0x5] =	stream.indirect.gather [hbm4b:s4+s14], $0x80, s6, s14, $0xb8;
	[tilespmem:$0x1E980] =	vst v63  }
.Ltmp1:
0x155: {  	_ = 	snop;
	(pc) =	sbr.rel @p1 .LBB2_4-.Ltmp1, $4  }
0x156: {  	_ =	swait.ge [sflag:s1], $0x2800  }
0x157: {  	s19 =	sadd.s32 $0x140, s19;
	s21 =	smov.u32 s9;
	[sflag:s1] =	ssyncset.done $0x0  }
0x158: {  	s11 =	simm.s32 $0x380;
	s18 =	simm.s32 $0x80;
	[sflag:s1] =	ssyncadd.s32 $0xFFFFD800  }
0x159: {  	[spmem:s5] =	stream.indirect.scatter.add.f32 [tilespmem:s0], [sflag:$0xC], $0x80, s11, s14, $0xb8;
	[tilespmem:$0x1E980] =	vst v63  }
0x15a: {  	s2 =	simm.s32 @!p0 $0xB  }
0x15b: {  	[spmem:s25] =	stream.indirect.scatter.add.f32 [tilespmem:s8], [sflag:$0xC], $0x1, s11, s14, $0xb8;
	[tilespmem:$0x1E980] =	vst v63  }
0x15c: {  	_ =	swait.ge @!p0 [sflag:s2], $0x2800  }
0x15d: {  	[sflag:s2] =	ssyncset.done @!p0 $0x0  }
0x15e: {  	[sflag:s2] =	ssyncadd.s32 @!p0 $0xFFFFD800  }
0x15f: {  	_ =	swait.ge @!p0 [sflag:s2], $0x50  }
0x160: {  	s0 =	simm.s32 $0x100;
	s3 =	rddreg [dreg:$0xb];
	[sflag:s2] =	ssyncset.done @!p0 $0x0  }
0x161: {  	s7 =	rddreg [dreg:$0xc];
	[sflag:s2] =	ssyncadd.s32 @!p0 $0xFFFFFFB0;
	s3 =	sadd.s32 s21, s3  }
0x162: {  	[tilespmem:s0], [sflag:$0x3] =	stream.linear.gather [hbm4b:s3+s6], $0x50, $0x38;
	[tilespmem:$0x1E980] =	vst v63  }
0x163: {  	s7 =	sadd.s32 s21, s7  }
0x164: {  	[tilespmem:s20], [sflag:$0x3] =	stream.linear.gather [hbm4b:s7+s6], $0x50, $0x38;
	[tilespmem:$0x1E980] =	vst v63  }
0x165: {  	_ =	swait.ge [sflag:s17], $0x50  }
0x166: {  	[sflag:s17] =	ssyncset.done $0x0  }
0x167: {  	[sflag:s17] =	ssyncadd.s32 $0xFFFFFFB0  }
0x168: {  	_ =	swait.ge [sflag:s17], $0x50  }
0x169: {  	[sflag:s17] =	ssyncset.done $0x0  }
0x16a: {  	[sflag:s17] =	ssyncadd.s32 $0xFFFFFFB0  }
0x16b: {  	[tilespmem:s30], [sflag:$0x6] =	stream.indirect.gather [hbm4b:s4+s14], $0x80, s18, s14, $0xb8;
	[tilespmem:$0x1E980] =	vst v63  }
0x16c: {  	_ =	swait.ge [sflag:s23], $0x2800  }
0x16d: {  	[sflag:s23] =	ssyncset.done $0x0  }
0x16e: {  	[sflag:s23] =	ssyncadd.s32 $0xFFFFD800  }
0x16f: {  	[spmem:s5] =	stream.indirect.scatter.add.f32 [tilespmem:s15], [sflag:$0x9], $0x80, s16, s14, $0xb8;
	[tilespmem:$0x1E980] =	vst v63  }
0x170: {  	s2 =	simm.s32 @!p0 $0xC  }
0x171: {  	[spmem:s25] =	stream.indirect.scatter.add.f32 [tilespmem:s8], [sflag:$0x9], $0x1, s16, s14, $0xb8;
	[tilespmem:$0x1E980] =	vst v63  }
0x172: {  	_ =	swait.ge @!p0 [sflag:s2], $0x2800  }
0x173: {  	[sflag:s2] =	ssyncset.done @!p0 $0x0  }
0x174: {  	[sflag:s2] =	ssyncadd.s32 @!p0 $0xFFFFD800  }
0x175: {  	_ =	swait.ge @!p0 [sflag:s2], $0x50  }
0x176: {  	s9 =	rddreg [dreg:$0x9];
	[sflag:s2] =	ssyncset.done @!p0 $0x0  }
0x177: {  	s18 =	rddreg [dreg:$0xa];
	[sflag:s2] =	ssyncadd.s32 @!p0 $0xFFFFFFB0;
	s9 =	sadd.s32 s21, s9  }
0x178: {  	[tilespmem:s10], [sflag:$0x4] =	stream.linear.gather [hbm4b:s9+s6], $0x50, $0x38;
	[tilespmem:$0x1E980] =	vst v63  }
0x179: {  	s18 =	sadd.s32 s21, s18  }
0x17a: {  	[tilespmem:s11], [sflag:$0x4] =	stream.linear.gather [hbm4b:s18+s6], $0x50, $0x38;
	[tilespmem:$0x1E980] =	vst v63  }
0x17b: {  	_ =	swait.ge [sflag:s24], $0x50  }
0x17c: {  	[sflag:s24] =	ssyncset.done $0x0  }
0x17d: {  	[sflag:s24] =	ssyncadd.s32 $0xFFFFFFB0  }
0x17e: {  	_ =	swait.ge [sflag:s24], $0x50  }
0x17f: {  	[sflag:s24] =	ssyncset.done $0x0  }
0x180: {  	[sflag:s24] =	ssyncadd.s32 $0xFFFFFFB0  }
0x181: {  	[tilespmem:s26], [sflag:$0x7] =	stream.indirect.gather [hbm4b:s4+s14], $0x80, s0, s14, $0xb8;
	[tilespmem:$0x1E980] =	vst v63  }
0x182: {  	_ =	swait.ge [sflag:s31], $0x2800  }
0x183: {  	[sflag:s31] =	ssyncset.done $0x0  }
0x184: {  	s3 =	simm.s32 $0x280;
	[sflag:s31] =	ssyncadd.s32 $0xFFFFD800  }
0x185: {  	[spmem:s5] =	stream.indirect.scatter.add.f32 [tilespmem:s30], [sflag:$0xA], $0x80, s3, s14, $0xb8;
	[tilespmem:$0x1E980] =	vst v63  }
0x186: {  	_ = 	snop  }
0x187: {  	[spmem:s25] =	stream.indirect.scatter.add.f32 [tilespmem:s8], [sflag:$0xA], $0x1, s3, s14, $0xb8;
	[tilespmem:$0x1E980] =	vst v63  }
0x188: {  	_ =	swait.ge [sflag:s28], $0x2800  }
0x189: {  	[sflag:s28] =	ssyncset.done $0x0  }
0x18a: {  	[sflag:s28] =	ssyncadd.s32 $0xFFFFD800  }
0x18b: {  	_ =	swait.ge [sflag:s28], $0x50  }
0x18c: {  	s7 =	sshrl.u32 s19, $0x3;
	[sflag:s28] =	ssyncset.done $0x0  }
0x18d: {  	s2 =	sadd.s32 s12, s7;
	s9 =	rddreg [dreg:$0x6];
	[sflag:s28] =	ssyncadd.s32 $0xFFFFFFB0  }
0x18e: {  	[tilespmem:s6], [sflag:$0x1] =	stream.linear.gather [hbm4b:s2+s6], $0x50, $0x38;
	[tilespmem:$0x1E980] =	vst v63  }
0x18f: {  	s18 =	sadd.s32 s21, s9  }
0x190: {  	[tilespmem:s16], [sflag:$0x1] =	stream.linear.gather [hbm4b:s18+s6], $0x50, $0x38;
	[tilespmem:$0x1E980] =	vst v63  }
0x191: {  	_ =	swait.ge [sflag:s29], $0x50  }
0x192: {  	[sflag:s29] =	ssyncset.done $0x0  }
0x193: {  	[sflag:s29] =	ssyncadd.s32 $0xFFFFFFB0  }
0x194: {  	_ =	swait.ge [sflag:s29], $0x50  }
0x195: {  	[sflag:s29] =	ssyncset.done $0x0  }
0x196: {  	s19 =	simm.s32 $0x7C00;
	[sflag:s29] =	ssyncadd.s32 $0xFFFFFFB0  }
0x197: {  	[tilespmem:s19], [sflag:$0x8] =	stream.indirect.gather [hbm4b:s4+s14], $0x80, s10, s14, $0xb8;
	[tilespmem:$0x1E980] =	vst v63  }
0x198: {  	_ =	swait.ge [sflag:s22], $0x2800  }
0x199: {  	[sflag:s22] =	ssyncset.done $0x0  }
0x19a: {  	p0 =	seq.s32 s21, $0x4B0;
	[sflag:s22] =	ssyncadd.s32 $0xFFFFD800  }
0x19b: {  	[spmem:s5] =	stream.indirect.scatter.add.f32 [tilespmem:s26], [sflag:$0xB], $0x80, s20, s14, $0xb8;
	[tilespmem:$0x1E980] =	vst v63  }
0x19c: {  	s2 =	simm.s32 @!p0 $0xA  }
0x19d: {  	[spmem:s25] =	stream.indirect.scatter.add.f32 [tilespmem:s8], [sflag:$0xB], $0x1, s20, s14, $0xb8;
	[tilespmem:$0x1E980] =	vst v63  }
0x19e: {  	_ =	swait.ge @!p0 [sflag:s2], $0x2800  }
0x19f: {  	[sflag:s2] =	ssyncset.done @!p0 $0x0  }
0x1a0: {  	[sflag:s2] =	ssyncadd.s32 @!p0 $0xFFFFD800  }
0x1a1: {  	s7 =	simm.s32 @!p0 $0x0;
	_ =	swait.ge @!p0 [sflag:s2], $0x50  }
0x1a2: {  	s9 =	simm.s32 @!p0 $0x80;
	s3 =	rddreg [dreg:$0x7];
	[sflag:s2] =	ssyncset.done @!p0 $0x0  }
0x1a3: {  	[sflag:s2] =	ssyncadd.s32 @!p0 $0xFFFFFFB0;
	s2 =	rddreg [dreg:$0x8];
	s3 =	sadd.s32 @!p0 s21, s3  }
0x1a4: {  	[tilespmem:s9], [sflag:$0x2] =	stream.linear.gather @!p0 [hbm4b:s3+s7], $0x50, $0x38;
	[tilespmem:$0x1E980] =	vst v63  }
0x1a5: {  	s2 =	sadd.s32 @!p0 s21, s2;
	s3 =	simm.s32 @!p0 $0x280  }
0x1a6: {  	[tilespmem:s3], [sflag:$0x2] =	stream.linear.gather @!p0 [hbm4b:s2+s7], $0x50, $0x38;
	[tilespmem:$0x1E980] =	vst v63  }
0x1a7: {  	_ =	swait.ge [sflag:s13], $0x50  }
0x1a8: {  	[sflag:s13] =	ssyncset.done $0x0  }
0x1a9: {  	[sflag:s13] =	ssyncadd.s32 $0xFFFFFFB0  }
0x1aa: {  	_ =	swait.ge [sflag:s13], $0x50  }
0x1ab: {  	[sflag:s13] =	ssyncset.done $0x0  }
0x1ac: {  	[sflag:s13] =	ssyncadd.s32 $0xFFFFFFB0  }
0x1ad: {  	[tilespmem:s15], [sflag:$0x5] =	stream.indirect.gather [hbm4b:s4+s14], $0x80, s6, s14, $0xb8;
	[tilespmem:$0x1E980] =	vst v63  }
0x1ae: {  	_ =	swait.ge [sflag:s1], $0x2800  }
0x1af: {  	[sflag:s1] =	ssyncset.done $0x0  }
0x1b0: {  	[sflag:s1] =	ssyncadd.s32 $0xFFFFD800  }
0x1b1: {  	[spmem:s5] =	stream.indirect.scatter.add.f32 [tilespmem:s19], [sflag:$0xC], $0x80, s11, s14, $0xb8;
	[tilespmem:$0x1E980] =	vst v63  }
0x1b2: {  	_ = 	snop  }
0x1b3: {  	[spmem:s25] =	stream.indirect.scatter.add.f32 [tilespmem:s8], [sflag:$0xC], $0x1, s11, s14, $0xb8;
	[tilespmem:$0x1E980] =	vst v63  }
0x1b4: {  	_ =	swait.ge [sflag:s23], $0x2800  }
0x1b5: {  	[sflag:s23] =	ssyncset.done $0x0  }
0x1b6: {  	[sflag:s23] =	ssyncadd.s32 $0xFFFFD800  }
0x1b7: {  	[spmem:s5] =	stream.indirect.scatter.add.f32 [tilespmem:s15], [sflag:$0x9], $0x80, s16, s14, $0xb8;
	[tilespmem:$0x1E980] =	vst v63  }
0x1b8: {  	s2 =	simm.s32 $0xA  }
0x1b9: {  	[spmem:s25] =	stream.indirect.scatter.add.f32 [tilespmem:s8], [sflag:$0x9], $0x1, s16, s14, $0xb8;
	[tilespmem:$0x1E980] =	vst v63  }
0x1ba: {  	_ =	swait.ge [sflag:s2], $0x2800  }
0x1bb: {  	[sflag:s2] =	ssyncset.done $0x0  }
0x1bc: {  	[sflag:s2] =	ssyncadd.s32 $0xFFFFD800  }
0x1bd: {  	_ =	swait.ge [sflag:s2], $0x50  }
0x1be: {  	[sflag:s2] =	ssyncset.done $0x0  }
0x1bf: {  	s3 =	simm.s32 $0xB;
	[sflag:s2] =	ssyncadd.s32 $0xFFFFFFB0  }
0x1c0: {  	_ =	swait.ge [sflag:s3], $0x2800  }
0x1c1: {  	[sflag:s3] =	ssyncset.done $0x0  }
0x1c2: {  	[sflag:s3] =	ssyncadd.s32 $0xFFFFD800  }
0x1c3: {  	_ =	swait.ge [sflag:s3], $0x50  }
0x1c4: {  	[sflag:s3] =	ssyncset.done $0x0  }
0x1c5: {  	s7 =	simm.s32 $0xC;
	[sflag:s3] =	ssyncadd.s32 $0xFFFFFFB0  }
0x1c6: {  	_ =	swait.ge [sflag:s7], $0x2800  }
0x1c7: {  	[sflag:s7] =	ssyncset.done $0x0  }
0x1c8: {  	[sflag:s7] =	ssyncadd.s32 $0xFFFFD800  }
0x1c9: {  	_ =	swait.ge [sflag:s7], $0x50  }
0x1ca: {  	[sflag:s7] =	ssyncset.done $0x0  }
0x1cb: {  	[sflag:s7] =	ssyncadd.s32 $0xFFFFFFB0  }
0x1cc: {  	_ =	swait.ge [sflag:s28], $0x2800  }
0x1cd: {  	[sflag:s28] =	ssyncset.done $0x0  }
0x1ce: {  	[sflag:s28] =	ssyncadd.s32 $0xFFFFD800  }
0x1cf: {  	_ =	swait.ge [sflag:s28], $0x50  }
0x1d0: {  	[sflag:s28] =	ssyncset.done $0x0  }
0x1d1: {  	[sflag:s28] =	ssyncadd.s32 $0xFFFFFFB0  }
0x1d2: {  	s9 =	stileid.u32;
	[bflag:$0x0] =	sbarrier.arrive $0xFFFF  }
0x1d3: {  	s2 =	sshll.u32 s9, $0x6;
	s15 =	rddreg [dreg:$0x19]  }
0x1d4: {  	s2 =	sor.u32 $0x1C0D, s2;
	s11 =	rddreg [dreg:$0x11];
	s10 =	sshrl.u32 s15, $0x3  }
0x1d5: {  	[hbm:s11], [sflag:s2] =	dma.local [spmem:s10], $0x800  }
0x1d6: {  	s11 =	simm.s32 $0xD  }
0x1d7: {  	_ =	swait.ge [sflag:s11], $0x800  }
0x1d8: {  	[sflag:s11] =	ssyncset.done $0x0;
	s16 =	rddreg [dreg:$0x12]  }
0x1d9: {  	s18 =	rddreg [dreg:$0x1c];
	[sflag:s11] =	ssyncadd.s32 $0xFFFFF800  }
0x1da: {  	[hbm:s16], [sflag:s2] =	dma.local [spmem:s18], $0x800  }
0x1db: {  	_ =	swait.ge [sflag:s11], $0x800  }
0x1dc: {  	[sflag:s11] =	ssyncset.done $0x0;
	s19 =	rddreg [dreg:$0x13]  }
0x1dd: {  	s21 =	rddreg [dreg:$0x1d];
	[sflag:s11] =	ssyncadd.s32 $0xFFFFF800  }
0x1de: {  	[hbm:s19], [sflag:s2] =	dma.local [spmem:s21], $0x800  }
0x1df: {  	_ =	swait.ge [sflag:s11], $0x800  }
0x1e0: {  	[sflag:s11] =	ssyncset.done $0x0;
	s0 =	rddreg [dreg:$0x14]  }
0x1e1: {  	s1 =	rddreg [dreg:$0x1e];
	[sflag:s11] =	ssyncadd.s32 $0xFFFFF800  }
0x1e2: {  	[hbm:s0], [sflag:s2] =	dma.local [spmem:s1], $0x800  }
0x1e3: {  	_ =	swait.ge [sflag:s11], $0x800  }
0x1e4: {  	[sflag:s11] =	ssyncset.done $0x0;
	s7 =	rddreg [dreg:$0x15]  }
0x1e5: {  	s9 =	rddreg [dreg:$0x1f];
	[sflag:s11] =	ssyncadd.s32 $0xFFFFF800  }
0x1e6: {  	[hbm:s7], [sflag:s2] =	dma.local [spmem:s9], $0x800  }
0x1e7: {  	_ =	swait.ge [sflag:s11], $0x800  }
0x1e8: {  	[sflag:s11] =	ssyncset.done $0x0;
	s18 =	rddreg [dreg:$0xd]  }
0x1e9: {  	s16 =	rddreg [dreg:$0x17];
	[sflag:s11] =	ssyncadd.s32 $0xFFFFF800;
	s10 =	sshrl.u32 s18, $0x3  }
0x1ea: {  	[hbm:s16], [sflag:s2] =	dma.local [spmem:s10], $0x50  }
0x1eb: {  	_ =	swait.ge [sflag:s11], $0x50  }
0x1ec: {  	s19 =	sld [smem:$0x7F7];
	_ =	sdelay $0x2  }
0x1ed: {  	s21 =	rddreg [dreg:$0x18];
	s0 =	sadd.s32 $0x1, s19  }
0x1ee: {  	p0 =	sne.s32 s0, s21  }
.Ltmp2:
0x1ef: {  	_ = 	snop;
	(pc) =	sbr.rel @p0 .LBB2_1-.Ltmp2, $3  }
0x1f0: {  	_ =	sdelay $0x1  }
0x1f1: {  	s3 =	simm.s32 $0x200;
	[sflag:s11] =	ssyncset.done $0x0  }
0x1f2: {  	s10 =	simm.s32 $0x300;
	s16 =	simm.s32 $0x5;
	[sflag:s11] =	ssyncadd.s32 $0xFFFFFFB0  }
0x1f3: {  	_ =	sfence.sel $0x180000  }
0x1f4: {  	[bflag:$0x0] =	sbarrier.arrive $0xFFFF  }
0x1f5: {  	_ =	strace $0x90000047  }
0x1f6: {  	s0 =	stileid.u32;
	[bflag:$0x2] =	sbarrier.arrive $0xFFFF  }
0x1f7: {  	p0 =	sne.s32 s0, $0x0;
	s0 =	rddreg [dreg:$0x5]  }
0x1f8: {  	s0 =	sadd.s32 @!p0 $0x100000, s0  }
0x1f9: {  	[sflag:s0] =	ssyncadd.tile.s32 @!p0 $0x1;
	_ =	shalt  }
.Lfunc_end2:
_tile_overlayer_lowered:
.L_overlay_start_2:
0x1fa: {  	(tag) =	ssettag $0x2  }
0x1fb: {  	s0 =	rddreg [dreg:$0x0];
	s2 =	stileid.u32  }
0x1fc: {  	s1 =	rddreg [dreg:$0x1];
	p0 =	sne.s32 s2, $0x0  }
0x1fd: {  	s3 =	rddreg [dreg:$0x2];
	[bflag:$0x3] =	sbarrier.arrive $0xFFFF;
	s2 =	simm.s32 @!p0 $0x1C0D  }
0x1fe: {  	[timem:s3], [sflag:s2] =	dma.local @!p0 [hbm:s0], s1  }
0x1ff: {  	s0 =	simm.s32 @!p0 $0xD  }
0x200: {  	_ =	swait.ge @!p0 [sflag:s0], s1  }
0x201: {  	s1 =	ssub.s32 @!p0 $0x0, s1;
	[sflag:s0] =	ssyncset.done @!p0 $0x0  }
0x202: {  	[sflag:s0] =	ssyncadd.s32 @!p0 s1  }
0x203: {  	[bflag:$0x3] =	sbarrier.arrive $0xFFFF  }
0x204: {  	_ =	shalt  }

</sc_bundles>
